<compile_context>
chip_gen: v7x
topology: tpu7x:2x2x1
jax: 0.10.2.dev20260603
libtpu: 0.0.44.dev20260713+nightly
codegen_flags: <defaults>
</compile_context>

<pallas_src>
import functools

import jax
import jax.numpy as jnp
from jax import lax
from jax.experimental import pallas as pl
from jax.experimental.pallas import tpu as pltpu
from jax.experimental.pallas import tpu_sc as plsc

B = 16384
C = 3
NUM_SUBCORES = 16
LANES = 16
NW = NUM_SUBCORES
BPW = B // NW
STEPS = BPW // LANES

_MESH = plsc.VectorSubcoreMesh(
    core_axis_name="c", subcore_axis_name="s",
    num_cores=1, num_subcores=NUM_SUBCORES,
)


@functools.partial(
    pl.kernel,
    out_type=[jax.ShapeDtypeStruct((NW, LANES), jnp.float32),
              jax.ShapeDtypeStruct((1,), jnp.float32)],
    mesh=_MESH,
    scratch_types=[
        pltpu.VMEM((C, BPW), jnp.float32),
        pltpu.VMEM((BPW,), jnp.int32),
        pltpu.VMEM((BPW,), jnp.int32),
        pltpu.VMEM((LANES,), jnp.float32),
        pltpu.VMEM((LANES,), jnp.float32),
        pltpu.VMEM((NW, LANES), jnp.float32),
        pltpu.SemaphoreType.DMA,
        pltpu.SemaphoreType.DMA,
        pltpu.SemaphoreType.DMA,
        pltpu.SemaphoreType.DMA,
        pltpu.SemaphoreType.DMA,
    ],
    compiler_params=pltpu.CompilerParams(needs_layout_passes=False),
)
def _dro_loss_sc(logits_hbm, labels_hbm, groups_hbm, wts_hbm,
                 parts_hbm, out_hbm,
                 logits_v, labels_v, groups_v, wts_v, acc_v, red_v,
                 wsem, sem0, sem1, sem2, sem3):
    sid = lax.axis_index("s")
    base = sid * BPW
    wts_v[...] = jnp.zeros((LANES,), jnp.float32)
    wcopy = pltpu.async_copy(wts_hbm, wts_v.at[pl.ds(0, 2)], wsem)
    copies = [
        pltpu.async_copy(logits_hbm.at[:, pl.ds(base, BPW)], logits_v, sem0),
        pltpu.async_copy(labels_hbm.at[pl.ds(base, BPW)], labels_v, sem1),
        pltpu.async_copy(groups_hbm.at[pl.ds(base, BPW)], groups_v, sem2),
    ]
    wcopy.wait()
    for cp in copies:
        cp.wait()

    UNROLL = 4

    def _step(j, acc):
        acc_u = acc
        for u in range(UNROLL):
            off = j * (UNROLL * LANES) + u * LANES
            l0 = logits_v[0, pl.ds(off, LANES)]
            l1 = logits_v[1, pl.ds(off, LANES)]
            l2 = logits_v[2, pl.ds(off, LANES)]
            lab = labels_v[pl.ds(off, LANES)]
            gid = groups_v[pl.ds(off, LANES)]
            m = jnp.maximum(l0, jnp.maximum(l1, l2))
            s = jnp.exp(l0 - m) + jnp.exp(l1 - m) + jnp.exp(l2 - m)
            z = (s - 1.0) / (s + 1.0)
            z2 = z * z
            p = jnp.float32(1.0 / 9.0)
            for coef in (1.0 / 7.0, 1.0 / 5.0, 1.0 / 3.0, 1.0):
                p = p * z2 + jnp.float32(coef)
            log_s = (2.0 * z) * p
            l_lab = jnp.where(lab == 0, l0, jnp.where(lab == 1, l1, l2))
            w = plsc.load_gather(wts_v, [gid])
            acc_u = acc_u + (log_s + (m - l_lab)) * w
        return acc_u

    acc = lax.fori_loop(0, STEPS // UNROLL, _step,
                        jnp.zeros((LANES,), jnp.float32))

    acc_v[...] = acc
    pltpu.sync_copy(acc_v, parts_hbm.at[sid])
    plsc.subcore_barrier()

    @pl.when(sid == 0)
    def _():
        pltpu.sync_copy(parts_hbm, red_v)
        tot = jnp.zeros((LANES,), jnp.float32)
        for t in range(NW):
            tot = tot + red_v[t, :]
        total = jnp.sum(tot)
        acc_v[...] = jnp.full((LANES,), total, jnp.float32)
        pltpu.sync_copy(acc_v.at[pl.ds(0, 1)], out_hbm)


def kernel(logits, labels, group_indices, subgroup_indices, group_weights):
    del subgroup_indices
    _, total = _dro_loss_sc(
        logits.astype(jnp.float32).T,
        labels.astype(jnp.int32),
        group_indices.astype(jnp.int32),
        group_weights.astype(jnp.float32),
    )
    return total.reshape(())

# --- scband reference (transcript-rebuilt; emitter-appended) ---
"""Pipeline reference for scband-group-droloss-71717363908861 (READ-ONLY COPY).

The authoritative reference and input builder live on the scoring server;
editing this copy changes nothing except your own understanding.
"""

import jax, jax.numpy as jnp
import numpy as np

B = 16384
C = 3
N_GROUPS = 2
N_SUBGROUPS = 6

def setup_inputs(seed: int = 0) -> dict:
    key = jax.random.key(seed)
    k1, k2, k3, k4 = jax.random.split(key, 4)
    logits = jax.random.normal(k1, (B, C), dtype=jnp.float32)
    labels = jax.random.randint(k2, (B,), 0, C)
    group_indices = jax.random.randint(k3, (B,), 0, N_GROUPS)
    subgroup_indices = jax.random.randint(k4, (B,), 0, N_SUBGROUPS)
    # learned/registered state: group_weights buffer initialized to ones
    group_weights = jnp.ones((N_GROUPS,), dtype=jnp.float32)
    return {
        "logits": logits,
        "labels": labels,
        "group_indices": group_indices,
        "subgroup_indices": subgroup_indices,
        "group_weights": group_weights,
    }

def reference(logits, labels, group_indices, subgroup_indices, group_weights):
    # per-sample cross entropy (reduction='none')
    logp = jax.nn.log_softmax(logits, axis=-1)
    ce = -jnp.take_along_axis(logp, labels[:, None], axis=1)[:, 0]
    # scatter-add per-sample losses into group / subgroup buckets
    group_losses = jax.ops.segment_sum(ce, group_indices, num_segments=N_GROUPS)
    subgroup_losses = jax.ops.segment_sum(ce, subgroup_indices, num_segments=N_SUBGROUPS)
    # weighted sum over groups using current group_weights buffer
    weighted_losses = group_losses * group_weights
    total_loss = weighted_losses.sum()
    return total_loss

if __name__ == "__main__":
    import jax
    _d = setup_inputs()
    print(jax.jit(kernel)(*tuple(_d.values())))

</pallas_src>

<mosaic_0001>
#map = affine_map<(d0, d1) -> (0, 0)>
#map1 = affine_map<(d0, d1) -> (0)>
module attributes {stable_mosaic.version = 14 : i64} {
  func.func @_dro_loss_sc(%arg0: i32, %arg1: i32, %arg2: memref<3x16384xf32, #tpu.memory_space<hbm>>, %arg3: memref<16384xi32, #tpu.memory_space<hbm>>, %arg4: memref<16384xi32, #tpu.memory_space<hbm>>, %arg5: memref<2xf32, #tpu.memory_space<hbm>>, %arg6: memref<16x16xf32, #tpu.memory_space<hbm>>, %arg7: memref<1xf32, #tpu.memory_space<hbm>>, %arg8: memref<3x1024xf32, #tpu.memory_space<vmem>>, %arg9: memref<1024xi32, #tpu.memory_space<vmem>>, %arg10: memref<1024xi32, #tpu.memory_space<vmem>>, %arg11: memref<16xf32, #tpu.memory_space<vmem>>, %arg12: memref<16xf32, #tpu.memory_space<vmem>>, %arg13: memref<16x16xf32, #tpu.memory_space<vmem>>, %arg14: memref<!tpu.dma_semaphore, #tpu.memory_space<semaphore_mem>>, %arg15: memref<!tpu.dma_semaphore, #tpu.memory_space<semaphore_mem>>, %arg16: memref<!tpu.dma_semaphore, #tpu.memory_space<semaphore_mem>>, %arg17: memref<!tpu.dma_semaphore, #tpu.memory_space<semaphore_mem>>, %arg18: memref<!tpu.dma_semaphore, #tpu.memory_space<semaphore_mem>>) attributes {dimension_semantics = [#tpu.dimension_semantics<core_parallel>, #tpu.dimension_semantics<subcore_parallel>], iteration_bounds = array<i64: 1, 16>, scalar_prefetch = 0 : i64, scratch_operands = 11 : i64, tpu.core_type = #tpu.core_type<sc_vector_subcore>, window_params = [{transform_indices = #map}, {transform_indices = #map1}, {transform_indices = #map1}, {transform_indices = #map1}, {transform_indices = #map}, {transform_indices = #map1}]} {
    %mul3A = arith.constant 1024 : i32
    %mul3A_0 = arith.muli %arg1, %mul3A : i32
    %broadcast_in_dim3A = arith.constant 0.000000e+00 : f32
    %broadcast_in_dim3A_1 = vector.broadcast %broadcast_in_dim3A : f32 to vector<16xf32>
    %swap3A = arith.constant 0 : index
    %swap3A_2 = tpu.vector_load %arg11[%swap3A] {strides = array<i32>} : memref<16xf32, #tpu.memory_space<vmem>>, vector<16xf32>,
    tpu.vector_store %arg11[%swap3A], %broadcast_in_dim3A_1 {strides = array<i32>} : memref<16xf32, #tpu.memory_space<vmem>>, vector<16xf32>,
    %dma_start3A = arith.constant 0 : i32
    %dma_start3A_3 = tpu.memref_slice %arg11[%dma_start3A] : memref<16xf32, #tpu.memory_space<vmem>> -> memref<2xf32, #tpu.memory_space<vmem>>
    %dma_start3A_4 = arith.constant 0 : i32
    %dma_start3A_5 = tpu.memref_slice %arg11[%dma_start3A_4] : memref<16xf32, #tpu.memory_space<vmem>> -> memref<2xf32, #tpu.memory_space<vmem>>
    tpu.enqueue_dma source(%arg5 : memref<2xf32, #tpu.memory_space<hbm>>) target(%dma_start3A_5 : memref<2xf32, #tpu.memory_space<vmem>>) target_semaphore(%arg14 : memref<!tpu.dma_semaphore, #tpu.memory_space<semaphore_mem>>)
    %dma_start3A_6 = arith.constant 0 : i32
    %dma_start3A_7 = tpu.memref_slice %arg2[%dma_start3A_6, %mul3A_0] : memref<3x16384xf32, #tpu.memory_space<hbm>> -> memref<3x1024xf32, #tpu.memory_space<hbm>>
    %dma_start3A_8 = arith.constant 0 : i32
    %dma_start3A_9 = tpu.memref_slice %arg2[%dma_start3A_8, %mul3A_0] : memref<3x16384xf32, #tpu.memory_space<hbm>> -> memref<3x1024xf32, #tpu.memory_space<hbm>>
    tpu.enqueue_dma source(%dma_start3A_9 : memref<3x1024xf32, #tpu.memory_space<hbm>>) target(%arg8 : memref<3x1024xf32, #tpu.memory_space<vmem>>) target_semaphore(%arg15 : memref<!tpu.dma_semaphore, #tpu.memory_space<semaphore_mem>>)
    %dma_start3A_10 = tpu.memref_slice %arg3[%mul3A_0] : memref<16384xi32, #tpu.memory_space<hbm>> -> memref<1024xi32, #tpu.memory_space<hbm>>
    %dma_start3A_11 = tpu.memref_slice %arg3[%mul3A_0] : memref<16384xi32, #tpu.memory_space<hbm>> -> memref<1024xi32, #tpu.memory_space<hbm>>
    tpu.enqueue_dma source(%dma_start3A_11 : memref<1024xi32, #tpu.memory_space<hbm>>) target(%arg9 : memref<1024xi32, #tpu.memory_space<vmem>>) target_semaphore(%arg16 : memref<!tpu.dma_semaphore, #tpu.memory_space<semaphore_mem>>)
    %dma_start3A_12 = tpu.memref_slice %arg4[%mul3A_0] : memref<16384xi32, #tpu.memory_space<hbm>> -> memref<1024xi32, #tpu.memory_space<hbm>>
    %dma_start3A_13 = tpu.memref_slice %arg4[%mul3A_0] : memref<16384xi32, #tpu.memory_space<hbm>> -> memref<1024xi32, #tpu.memory_space<hbm>>
    tpu.enqueue_dma source(%dma_start3A_13 : memref<1024xi32, #tpu.memory_space<hbm>>) target(%arg10 : memref<1024xi32, #tpu.memory_space<vmem>>) target_semaphore(%arg17 : memref<!tpu.dma_semaphore, #tpu.memory_space<semaphore_mem>>)
    %dma_wait3A = arith.constant 0 : i32
    %dma_wait3A_14 = tpu.memref_slice %arg11[%dma_wait3A] : memref<16xf32, #tpu.memory_space<vmem>> -> memref<2xf32, #tpu.memory_space<vmem>>
    %dma_wait3A_15 = arith.constant 0 : i32
    %dma_wait3A_16 = tpu.memref_slice %arg11[%dma_wait3A_15] : memref<16xf32, #tpu.memory_space<vmem>> -> memref<2xf32, #tpu.memory_space<vmem>>
    tpu.wait_dma2 semaphore(%arg14 : memref<!tpu.dma_semaphore, #tpu.memory_space<semaphore_mem>>) src(%arg5 : memref<2xf32, #tpu.memory_space<hbm>>) dst(%dma_wait3A_16 : memref<2xf32, #tpu.memory_space<vmem>>)
    %dma_wait3A_17 = arith.constant 0 : i32
    %dma_wait3A_18 = tpu.memref_slice %arg2[%dma_wait3A_17, %mul3A_0] : memref<3x16384xf32, #tpu.memory_space<hbm>> -> memref<3x1024xf32, #tpu.memory_space<hbm>>
    %dma_wait3A_19 = arith.constant 0 : i32
    %dma_wait3A_20 = tpu.memref_slice %arg2[%dma_wait3A_19, %mul3A_0] : memref<3x16384xf32, #tpu.memory_space<hbm>> -> memref<3x1024xf32, #tpu.memory_space<hbm>>
    tpu.wait_dma2 semaphore(%arg15 : memref<!tpu.dma_semaphore, #tpu.memory_space<semaphore_mem>>) src(%dma_wait3A_20 : memref<3x1024xf32, #tpu.memory_space<hbm>>) dst(%arg8 : memref<3x1024xf32, #tpu.memory_space<vmem>>)
    %dma_wait3A_21 = tpu.memref_slice %arg3[%mul3A_0] : memref<16384xi32, #tpu.memory_space<hbm>> -> memref<1024xi32, #tpu.memory_space<hbm>>
    %dma_wait3A_22 = tpu.memref_slice %arg3[%mul3A_0] : memref<16384xi32, #tpu.memory_space<hbm>> -> memref<1024xi32, #tpu.memory_space<hbm>>
    tpu.wait_dma2 semaphore(%arg16 : memref<!tpu.dma_semaphore, #tpu.memory_space<semaphore_mem>>) src(%dma_wait3A_22 : memref<1024xi32, #tpu.memory_space<hbm>>) dst(%arg9 : memref<1024xi32, #tpu.memory_space<vmem>>)
    %dma_wait3A_23 = tpu.memref_slice %arg4[%mul3A_0] : memref<16384xi32, #tpu.memory_space<hbm>> -> memref<1024xi32, #tpu.memory_space<hbm>>
    %dma_wait3A_24 = tpu.memref_slice %arg4[%mul3A_0] : memref<16384xi32, #tpu.memory_space<hbm>> -> memref<1024xi32, #tpu.memory_space<hbm>>
    tpu.wait_dma2 semaphore(%arg17 : memref<!tpu.dma_semaphore, #tpu.memory_space<semaphore_mem>>) src(%dma_wait3A_24 : memref<1024xi32, #tpu.memory_space<hbm>>) dst(%arg10 : memref<1024xi32, #tpu.memory_space<vmem>>)
    %broadcast_in_dim3A_25 = arith.constant 0.000000e+00 : f32
    %broadcast_in_dim3A_26 = vector.broadcast %broadcast_in_dim3A_25 : f32 to vector<16xf32>
    %scan3A = arith.constant 0 : i32
    %scan3A_27 = arith.constant 16 : i32
    %scan3A_28 = arith.addi %scan3A, %scan3A_27 : i32
    %scan3A_29 = arith.constant 1 : i32
    %scan3A_30 = scf.for %scan3A_36 = %scan3A to %scan3A_28 step %scan3A_29 iter_args(%scan3A_37 = %broadcast_in_dim3A_26) -> (vector<16xf32>)  : i32 {
      %mul3A_38 = arith.constant 64 : i32
      %mul3A_39 = arith.muli %scan3A_36, %mul3A_38 : i32
      %add3A = arith.constant 0 : i32
      %add3A_40 = arith.addi %mul3A_39, %add3A : i32
      %get3A = arith.constant 0 : i32
      %get3A_41 = arith.index_cast %get3A : i32 to index
      %get3A_42 = arith.index_cast %add3A_40 : i32 to index
      %get3A_43 = tpu.vector_load %arg8[%get3A_41, %get3A_42] {strides = array<i32>} : memref<3x1024xf32, #tpu.memory_space<vmem>>, vector<16xf32>,
      %get3A_44 = arith.constant 1 : i32
      %get3A_45 = arith.index_cast %get3A_44 : i32 to index
      %get3A_46 = arith.index_cast %add3A_40 : i32 to index
      %get3A_47 = tpu.vector_load %arg8[%get3A_45, %get3A_46] {strides = array<i32>} : memref<3x1024xf32, #tpu.memory_space<vmem>>, vector<16xf32>,
      %get3A_48 = arith.constant 2 : i32
      %get3A_49 = arith.index_cast %get3A_48 : i32 to index
      %get3A_50 = arith.index_cast %add3A_40 : i32 to index
      %get3A_51 = tpu.vector_load %arg8[%get3A_49, %get3A_50] {strides = array<i32>} : memref<3x1024xf32, #tpu.memory_space<vmem>>, vector<16xf32>,
      %get3A_52 = arith.index_cast %add3A_40 : i32 to index
      %get3A_53 = tpu.vector_load %arg9[%get3A_52] {strides = array<i32>} : memref<1024xi32, #tpu.memory_space<vmem>>, vector<16xi32>,
      %get3A_54 = arith.index_cast %add3A_40 : i32 to index
      %get3A_55 = tpu.vector_load %arg10[%get3A_54] {strides = array<i32>} : memref<1024xi32, #tpu.memory_space<vmem>>, vector<16xi32>,
      %max3A = arith.maximumf %get3A_47, %get3A_51 : vector<16xf32>
      %max3A_56 = arith.maximumf %get3A_43, %max3A : vector<16xf32>
      %sub3A = arith.subf %get3A_43, %max3A_56 : vector<16xf32>
      %exp3A = math.exp %sub3A : vector<16xf32>
      %sub3A_57 = arith.subf %get3A_47, %max3A_56 : vector<16xf32>
      %exp3A_58 = math.exp %sub3A_57 : vector<16xf32>
      %add3A_59 = arith.addf %exp3A, %exp3A_58 : vector<16xf32>
      %sub3A_60 = arith.subf %get3A_51, %max3A_56 : vector<16xf32>
      %exp3A_61 = math.exp %sub3A_60 : vector<16xf32>
      %add3A_62 = arith.addf %add3A_59, %exp3A_61 : vector<16xf32>
      %sub3A_63 = arith.constant 1.000000e+00 : f32
      %sub3A_64 = vector.broadcast %sub3A_63 : f32 to vector<16xf32>
      %sub3A_65 = arith.subf %add3A_62, %sub3A_64 : vector<16xf32>
      %add3A_66 = arith.constant 1.000000e+00 : f32
      %add3A_67 = vector.broadcast %add3A_66 : f32 to vector<16xf32>
      %add3A_68 = arith.addf %add3A_62, %add3A_67 : vector<16xf32>
      %div3A = arith.divf %sub3A_65, %add3A_68 : vector<16xf32>
      %mul3A_69 = arith.mulf %div3A, %div3A : vector<16xf32>
      %mul3A_70 = arith.constant 0.111111112 : f32
      %mul3A_71 = vector.broadcast %mul3A_70 : f32 to vector<16xf32>
      %mul3A_72 = arith.mulf %mul3A_71, %mul3A_69 : vector<16xf32>
      %add3A_73 = arith.constant 0.142857149 : f32
      %add3A_74 = vector.broadcast %add3A_73 : f32 to vector<16xf32>
      %add3A_75 = arith.addf %mul3A_72, %add3A_74 : vector<16xf32>
      %mul3A_76 = arith.mulf %add3A_75, %mul3A_69 : vector<16xf32>
      %add3A_77 = arith.constant 2.000000e-01 : f32
      %add3A_78 = vector.broadcast %add3A_77 : f32 to vector<16xf32>
      %add3A_79 = arith.addf %mul3A_76, %add3A_78 : vector<16xf32>
      %mul3A_80 = arith.mulf %add3A_79, %mul3A_69 : vector<16xf32>
      %add3A_81 = arith.constant 0.333333343 : f32
      %add3A_82 = vector.broadcast %add3A_81 : f32 to vector<16xf32>
      %add3A_83 = arith.addf %mul3A_80, %add3A_82 : vector<16xf32>
      %mul3A_84 = arith.mulf %add3A_83, %mul3A_69 : vector<16xf32>
      %add3A_85 = arith.constant 1.000000e+00 : f32
      %add3A_86 = vector.broadcast %add3A_85 : f32 to vector<16xf32>
      %add3A_87 = arith.addf %mul3A_84, %add3A_86 : vector<16xf32>
      %mul3A_88 = arith.constant 2.000000e+00 : f32
      %mul3A_89 = vector.broadcast %mul3A_88 : f32 to vector<16xf32>
      %mul3A_90 = arith.mulf %mul3A_89, %div3A : vector<16xf32>
      %mul3A_91 = arith.mulf %mul3A_90, %add3A_87 : vector<16xf32>
      %eq3A_92 = arith.constant 0 : i32
      %eq3A_93 = vector.broadcast %eq3A_92 : i32 to vector<16xi32>
      %eq3A_94 = arith.cmpi eq, %get3A_53, %eq3A_93 : vector<16xi32>
      %eq3A_95 = arith.constant 1 : i32
      %eq3A_96 = vector.broadcast %eq3A_95 : i32 to vector<16xi32>
      %eq3A_97 = arith.cmpi eq, %get3A_53, %eq3A_96 : vector<16xi32>
      %select_n3A = arith.select %eq3A_97, %get3A_47, %get3A_51 : vector<16xi1>, vector<16xf32>
      %select_n3A_98 = arith.select %eq3A_94, %get3A_43, %select_n3A : vector<16xi1>, vector<16xf32>
      %gather3A = tpu.vector_load_idx %arg11[%get3A_55] : memref<16xf32, #tpu.memory_space<vmem>>[vector<16xi32>], vector<16xf32>,
      %sub3A_99 = arith.subf %max3A_56, %select_n3A_98 : vector<16xf32>
      %add3A_100 = arith.addf %mul3A_91, %sub3A_99 : vector<16xf32>
      %mul3A_101 = arith.mulf %add3A_100, %gather3A : vector<16xf32>
      %add3A_102 = arith.addf %scan3A_37, %mul3A_101 : vector<16xf32>
      %mul3A_103 = arith.constant 64 : i32
      %mul3A_104 = arith.muli %scan3A_36, %mul3A_103 : i32
      %add3A_105 = arith.constant 16 : i32
      %add3A_106 = arith.addi %mul3A_104, %add3A_105 : i32
      %get3A_107 = arith.constant 0 : i32
      %get3A_108 = arith.index_cast %get3A_107 : i32 to index
      %get3A_109 = arith.index_cast %add3A_106 : i32 to index
      %get3A_110 = tpu.vector_load %arg8[%get3A_108, %get3A_109] {strides = array<i32>} : memref<3x1024xf32, #tpu.memory_space<vmem>>, vector<16xf32>,
      %get3A_111 = arith.constant 1 : i32
      %get3A_112 = arith.index_cast %get3A_111 : i32 to index
      %get3A_113 = arith.index_cast %add3A_106 : i32 to index
      %get3A_114 = tpu.vector_load %arg8[%get3A_112, %get3A_113] {strides = array<i32>} : memref<3x1024xf32, #tpu.memory_space<vmem>>, vector<16xf32>,
      %get3A_115 = arith.constant 2 : i32
      %get3A_116 = arith.index_cast %get3A_115 : i32 to index
      %get3A_117 = arith.index_cast %add3A_106 : i32 to index
      %get3A_118 = tpu.vector_load %arg8[%get3A_116, %get3A_117] {strides = array<i32>} : memref<3x1024xf32, #tpu.memory_space<vmem>>, vector<16xf32>,
      %get3A_119 = arith.index_cast %add3A_106 : i32 to index
      %get3A_120 = tpu.vector_load %arg9[%get3A_119] {strides = array<i32>} : memref<1024xi32, #tpu.memory_space<vmem>>, vector<16xi32>,
      %get3A_121 = arith.index_cast %add3A_106 : i32 to index
      %get3A_122 = tpu.vector_load %arg10[%get3A_121] {strides = array<i32>} : memref<1024xi32, #tpu.memory_space<vmem>>, vector<16xi32>,
      %max3A_123 = arith.maximumf %get3A_114, %get3A_118 : vector<16xf32>
      %max3A_124 = arith.maximumf %get3A_110, %max3A_123 : vector<16xf32>
      %sub3A_125 = arith.subf %get3A_110, %max3A_124 : vector<16xf32>
      %exp3A_126 = math.exp %sub3A_125 : vector<16xf32>
      %sub3A_127 = arith.subf %get3A_114, %max3A_124 : vector<16xf32>
      %exp3A_128 = math.exp %sub3A_127 : vector<16xf32>
      %add3A_129 = arith.addf %exp3A_126, %exp3A_128 : vector<16xf32>
      %sub3A_130 = arith.subf %get3A_118, %max3A_124 : vector<16xf32>
      %exp3A_131 = math.exp %sub3A_130 : vector<16xf32>
      %add3A_132 = arith.addf %add3A_129, %exp3A_131 : vector<16xf32>
      %sub3A_133 = arith.constant 1.000000e+00 : f32
      %sub3A_134 = vector.broadcast %sub3A_133 : f32 to vector<16xf32>
      %sub3A_135 = arith.subf %add3A_132, %sub3A_134 : vector<16xf32>
      %add3A_136 = arith.constant 1.000000e+00 : f32
      %add3A_137 = vector.broadcast %add3A_136 : f32 to vector<16xf32>
      %add3A_138 = arith.addf %add3A_132, %add3A_137 : vector<16xf32>
      %div3A_139 = arith.divf %sub3A_135, %add3A_138 : vector<16xf32>
      %mul3A_140 = arith.mulf %div3A_139, %div3A_139 : vector<16xf32>
      %mul3A_141 = arith.constant 0.111111112 : f32
      %mul3A_142 = vector.broadcast %mul3A_141 : f32 to vector<16xf32>
      %mul3A_143 = arith.mulf %mul3A_142, %mul3A_140 : vector<16xf32>
      %add3A_144 = arith.constant 0.142857149 : f32
      %add3A_145 = vector.broadcast %add3A_144 : f32 to vector<16xf32>
      %add3A_146 = arith.addf %mul3A_143, %add3A_145 : vector<16xf32>
      %mul3A_147 = arith.mulf %add3A_146, %mul3A_140 : vector<16xf32>
      %add3A_148 = arith.constant 2.000000e-01 : f32
      %add3A_149 = vector.broadcast %add3A_148 : f32 to vector<16xf32>
      %add3A_150 = arith.addf %mul3A_147, %add3A_149 : vector<16xf32>
      %mul3A_151 = arith.mulf %add3A_150, %mul3A_140 : vector<16xf32>
      %add3A_152 = arith.constant 0.333333343 : f32
      %add3A_153 = vector.broadcast %add3A_152 : f32 to vector<16xf32>
      %add3A_154 = arith.addf %mul3A_151, %add3A_153 : vector<16xf32>
      %mul3A_155 = arith.mulf %add3A_154, %mul3A_140 : vector<16xf32>
      %add3A_156 = arith.constant 1.000000e+00 : f32
      %add3A_157 = vector.broadcast %add3A_156 : f32 to vector<16xf32>
      %add3A_158 = arith.addf %mul3A_155, %add3A_157 : vector<16xf32>
      %mul3A_159 = arith.constant 2.000000e+00 : f32
      %mul3A_160 = vector.broadcast %mul3A_159 : f32 to vector<16xf32>
      %mul3A_161 = arith.mulf %mul3A_160, %div3A_139 : vector<16xf32>
      %mul3A_162 = arith.mulf %mul3A_161, %add3A_158 : vector<16xf32>
      %eq3A_163 = arith.constant 0 : i32
      %eq3A_164 = vector.broadcast %eq3A_163 : i32 to vector<16xi32>
      %eq3A_165 = arith.cmpi eq, %get3A_120, %eq3A_164 : vector<16xi32>
      %eq3A_166 = arith.constant 1 : i32
      %eq3A_167 = vector.broadcast %eq3A_166 : i32 to vector<16xi32>
      %eq3A_168 = arith.cmpi eq, %get3A_120, %eq3A_167 : vector<16xi32>
      %select_n3A_169 = arith.select %eq3A_168, %get3A_114, %get3A_118 : vector<16xi1>, vector<16xf32>
      %select_n3A_170 = arith.select %eq3A_165, %get3A_110, %select_n3A_169 : vector<16xi1>, vector<16xf32>
      %gather3A_171 = tpu.vector_load_idx %arg11[%get3A_122] : memref<16xf32, #tpu.memory_space<vmem>>[vector<16xi32>], vector<16xf32>,
      %sub3A_172 = arith.subf %max3A_124, %select_n3A_170 : vector<16xf32>
      %add3A_173 = arith.addf %mul3A_162, %sub3A_172 : vector<16xf32>
      %mul3A_174 = arith.mulf %add3A_173, %gather3A_171 : vector<16xf32>
      %add3A_175 = arith.addf %add3A_102, %mul3A_174 : vector<16xf32>
      %mul3A_176 = arith.constant 64 : i32
      %mul3A_177 = arith.muli %scan3A_36, %mul3A_176 : i32
      %add3A_178 = arith.constant 32 : i32
      %add3A_179 = arith.addi %mul3A_177, %add3A_178 : i32
      %get3A_180 = arith.constant 0 : i32
      %get3A_181 = arith.index_cast %get3A_180 : i32 to index
      %get3A_182 = arith.index_cast %add3A_179 : i32 to index
      %get3A_183 = tpu.vector_load %arg8[%get3A_181, %get3A_182] {strides = array<i32>} : memref<3x1024xf32, #tpu.memory_space<vmem>>, vector<16xf32>,
      %get3A_184 = arith.constant 1 : i32
      %get3A_185 = arith.index_cast %get3A_184 : i32 to index
      %get3A_186 = arith.index_cast %add3A_179 : i32 to index
      %get3A_187 = tpu.vector_load %arg8[%get3A_185, %get3A_186] {strides = array<i32>} : memref<3x1024xf32, #tpu.memory_space<vmem>>, vector<16xf32>,
      %get3A_188 = arith.constant 2 : i32
      %get3A_189 = arith.index_cast %get3A_188 : i32 to index
      %get3A_190 = arith.index_cast %add3A_179 : i32 to index
      %get3A_191 = tpu.vector_load %arg8[%get3A_189, %get3A_190] {strides = array<i32>} : memref<3x1024xf32, #tpu.memory_space<vmem>>, vector<16xf32>,
      %get3A_192 = arith.index_cast %add3A_179 : i32 to index
      %get3A_193 = tpu.vector_load %arg9[%get3A_192] {strides = array<i32>} : memref<1024xi32, #tpu.memory_space<vmem>>, vector<16xi32>,
      %get3A_194 = arith.index_cast %add3A_179 : i32 to index
      %get3A_195 = tpu.vector_load %arg10[%get3A_194] {strides = array<i32>} : memref<1024xi32, #tpu.memory_space<vmem>>, vector<16xi32>,
      %max3A_196 = arith.maximumf %get3A_187, %get3A_191 : vector<16xf32>
      %max3A_197 = arith.maximumf %get3A_183, %max3A_196 : vector<16xf32>
      %sub3A_198 = arith.subf %get3A_183, %max3A_197 : vector<16xf32>
      %exp3A_199 = math.exp %sub3A_198 : vector<16xf32>
      %sub3A_200 = arith.subf %get3A_187, %max3A_197 : vector<16xf32>
      %exp3A_201 = math.exp %sub3A_200 : vector<16xf32>
      %add3A_202 = arith.addf %exp3A_199, %exp3A_201 : vector<16xf32>
      %sub3A_203 = arith.subf %get3A_191, %max3A_197 : vector<16xf32>
      %exp3A_204 = math.exp %sub3A_203 : vector<16xf32>
      %add3A_205 = arith.addf %add3A_202, %exp3A_204 : vector<16xf32>
      %sub3A_206 = arith.constant 1.000000e+00 : f32
      %sub3A_207 = vector.broadcast %sub3A_206 : f32 to vector<16xf32>
      %sub3A_208 = arith.subf %add3A_205, %sub3A_207 : vector<16xf32>
      %add3A_209 = arith.constant 1.000000e+00 : f32
      %add3A_210 = vector.broadcast %add3A_209 : f32 to vector<16xf32>
      %add3A_211 = arith.addf %add3A_205, %add3A_210 : vector<16xf32>
      %div3A_212 = arith.divf %sub3A_208, %add3A_211 : vector<16xf32>
      %mul3A_213 = arith.mulf %div3A_212, %div3A_212 : vector<16xf32>
      %mul3A_214 = arith.constant 0.111111112 : f32
      %mul3A_215 = vector.broadcast %mul3A_214 : f32 to vector<16xf32>
      %mul3A_216 = arith.mulf %mul3A_215, %mul3A_213 : vector<16xf32>
      %add3A_217 = arith.constant 0.142857149 : f32
      %add3A_218 = vector.broadcast %add3A_217 : f32 to vector<16xf32>
      %add3A_219 = arith.addf %mul3A_216, %add3A_218 : vector<16xf32>
      %mul3A_220 = arith.mulf %add3A_219, %mul3A_213 : vector<16xf32>
      %add3A_221 = arith.constant 2.000000e-01 : f32
      %add3A_222 = vector.broadcast %add3A_221 : f32 to vector<16xf32>
      %add3A_223 = arith.addf %mul3A_220, %add3A_222 : vector<16xf32>
      %mul3A_224 = arith.mulf %add3A_223, %mul3A_213 : vector<16xf32>
      %add3A_225 = arith.constant 0.333333343 : f32
      %add3A_226 = vector.broadcast %add3A_225 : f32 to vector<16xf32>
      %add3A_227 = arith.addf %mul3A_224, %add3A_226 : vector<16xf32>
      %mul3A_228 = arith.mulf %add3A_227, %mul3A_213 : vector<16xf32>
      %add3A_229 = arith.constant 1.000000e+00 : f32
      %add3A_230 = vector.broadcast %add3A_229 : f32 to vector<16xf32>
      %add3A_231 = arith.addf %mul3A_228, %add3A_230 : vector<16xf32>
      %mul3A_232 = arith.constant 2.000000e+00 : f32
      %mul3A_233 = vector.broadcast %mul3A_232 : f32 to vector<16xf32>
      %mul3A_234 = arith.mulf %mul3A_233, %div3A_212 : vector<16xf32>
      %mul3A_235 = arith.mulf %mul3A_234, %add3A_231 : vector<16xf32>
      %eq3A_236 = arith.constant 0 : i32
      %eq3A_237 = vector.broadcast %eq3A_236 : i32 to vector<16xi32>
      %eq3A_238 = arith.cmpi eq, %get3A_193, %eq3A_237 : vector<16xi32>
      %eq3A_239 = arith.constant 1 : i32
      %eq3A_240 = vector.broadcast %eq3A_239 : i32 to vector<16xi32>
      %eq3A_241 = arith.cmpi eq, %get3A_193, %eq3A_240 : vector<16xi32>
      %select_n3A_242 = arith.select %eq3A_241, %get3A_187, %get3A_191 : vector<16xi1>, vector<16xf32>
      %select_n3A_243 = arith.select %eq3A_238, %get3A_183, %select_n3A_242 : vector<16xi1>, vector<16xf32>
      %gather3A_244 = tpu.vector_load_idx %arg11[%get3A_195] : memref<16xf32, #tpu.memory_space<vmem>>[vector<16xi32>], vector<16xf32>,
      %sub3A_245 = arith.subf %max3A_197, %select_n3A_243 : vector<16xf32>
      %add3A_246 = arith.addf %mul3A_235, %sub3A_245 : vector<16xf32>
      %mul3A_247 = arith.mulf %add3A_246, %gather3A_244 : vector<16xf32>
      %add3A_248 = arith.addf %add3A_175, %mul3A_247 : vector<16xf32>
      %mul3A_249 = arith.constant 64 : i32
      %mul3A_250 = arith.muli %scan3A_36, %mul3A_249 : i32
      %add3A_251 = arith.constant 48 : i32
      %add3A_252 = arith.addi %mul3A_250, %add3A_251 : i32
      %get3A_253 = arith.constant 0 : i32
      %get3A_254 = arith.index_cast %get3A_253 : i32 to index
      %get3A_255 = arith.index_cast %add3A_252 : i32 to index
      %get3A_256 = tpu.vector_load %arg8[%get3A_254, %get3A_255] {strides = array<i32>} : memref<3x1024xf32, #tpu.memory_space<vmem>>, vector<16xf32>,
      %get3A_257 = arith.constant 1 : i32
      %get3A_258 = arith.index_cast %get3A_257 : i32 to index
      %get3A_259 = arith.index_cast %add3A_252 : i32 to index
      %get3A_260 = tpu.vector_load %arg8[%get3A_258, %get3A_259] {strides = array<i32>} : memref<3x1024xf32, #tpu.memory_space<vmem>>, vector<16xf32>,
      %get3A_261 = arith.constant 2 : i32
      %get3A_262 = arith.index_cast %get3A_261 : i32 to index
      %get3A_263 = arith.index_cast %add3A_252 : i32 to index
      %get3A_264 = tpu.vector_load %arg8[%get3A_262, %get3A_263] {strides = array<i32>} : memref<3x1024xf32, #tpu.memory_space<vmem>>, vector<16xf32>,
      %get3A_265 = arith.index_cast %add3A_252 : i32 to index
      %get3A_266 = tpu.vector_load %arg9[%get3A_265] {strides = array<i32>} : memref<1024xi32, #tpu.memory_space<vmem>>, vector<16xi32>,
      %get3A_267 = arith.index_cast %add3A_252 : i32 to index
      %get3A_268 = tpu.vector_load %arg10[%get3A_267] {strides = array<i32>} : memref<1024xi32, #tpu.memory_space<vmem>>, vector<16xi32>,
      %max3A_269 = arith.maximumf %get3A_260, %get3A_264 : vector<16xf32>
      %max3A_270 = arith.maximumf %get3A_256, %max3A_269 : vector<16xf32>
      %sub3A_271 = arith.subf %get3A_256, %max3A_270 : vector<16xf32>
      %exp3A_272 = math.exp %sub3A_271 : vector<16xf32>
      %sub3A_273 = arith.subf %get3A_260, %max3A_270 : vector<16xf32>
      %exp3A_274 = math.exp %sub3A_273 : vector<16xf32>
      %add3A_275 = arith.addf %exp3A_272, %exp3A_274 : vector<16xf32>
      %sub3A_276 = arith.subf %get3A_264, %max3A_270 : vector<16xf32>
      %exp3A_277 = math.exp %sub3A_276 : vector<16xf32>
      %add3A_278 = arith.addf %add3A_275, %exp3A_277 : vector<16xf32>
      %sub3A_279 = arith.constant 1.000000e+00 : f32
      %sub3A_280 = vector.broadcast %sub3A_279 : f32 to vector<16xf32>
      %sub3A_281 = arith.subf %add3A_278, %sub3A_280 : vector<16xf32>
      %add3A_282 = arith.constant 1.000000e+00 : f32
      %add3A_283 = vector.broadcast %add3A_282 : f32 to vector<16xf32>
      %add3A_284 = arith.addf %add3A_278, %add3A_283 : vector<16xf32>
      %div3A_285 = arith.divf %sub3A_281, %add3A_284 : vector<16xf32>
      %mul3A_286 = arith.mulf %div3A_285, %div3A_285 : vector<16xf32>
      %mul3A_287 = arith.constant 0.111111112 : f32
      %mul3A_288 = vector.broadcast %mul3A_287 : f32 to vector<16xf32>
      %mul3A_289 = arith.mulf %mul3A_288, %mul3A_286 : vector<16xf32>
      %add3A_290 = arith.constant 0.142857149 : f32
      %add3A_291 = vector.broadcast %add3A_290 : f32 to vector<16xf32>
      %add3A_292 = arith.addf %mul3A_289, %add3A_291 : vector<16xf32>
      %mul3A_293 = arith.mulf %add3A_292, %mul3A_286 : vector<16xf32>
      %add3A_294 = arith.constant 2.000000e-01 : f32
      %add3A_295 = vector.broadcast %add3A_294 : f32 to vector<16xf32>
      %add3A_296 = arith.addf %mul3A_293, %add3A_295 : vector<16xf32>
      %mul3A_297 = arith.mulf %add3A_296, %mul3A_286 : vector<16xf32>
      %add3A_298 = arith.constant 0.333333343 : f32
      %add3A_299 = vector.broadcast %add3A_298 : f32 to vector<16xf32>
      %add3A_300 = arith.addf %mul3A_297, %add3A_299 : vector<16xf32>
      %mul3A_301 = arith.mulf %add3A_300, %mul3A_286 : vector<16xf32>
      %add3A_302 = arith.constant 1.000000e+00 : f32
      %add3A_303 = vector.broadcast %add3A_302 : f32 to vector<16xf32>
      %add3A_304 = arith.addf %mul3A_301, %add3A_303 : vector<16xf32>
      %mul3A_305 = arith.constant 2.000000e+00 : f32
      %mul3A_306 = vector.broadcast %mul3A_305 : f32 to vector<16xf32>
      %mul3A_307 = arith.mulf %mul3A_306, %div3A_285 : vector<16xf32>
      %mul3A_308 = arith.mulf %mul3A_307, %add3A_304 : vector<16xf32>
      %eq3A_309 = arith.constant 0 : i32
      %eq3A_310 = vector.broadcast %eq3A_309 : i32 to vector<16xi32>
      %eq3A_311 = arith.cmpi eq, %get3A_266, %eq3A_310 : vector<16xi32>
      %eq3A_312 = arith.constant 1 : i32
      %eq3A_313 = vector.broadcast %eq3A_312 : i32 to vector<16xi32>
      %eq3A_314 = arith.cmpi eq, %get3A_266, %eq3A_313 : vector<16xi32>
      %select_n3A_315 = arith.select %eq3A_314, %get3A_260, %get3A_264 : vector<16xi1>, vector<16xf32>
      %select_n3A_316 = arith.select %eq3A_311, %get3A_256, %select_n3A_315 : vector<16xi1>, vector<16xf32>
      %gather3A_317 = tpu.vector_load_idx %arg11[%get3A_268] : memref<16xf32, #tpu.memory_space<vmem>>[vector<16xi32>], vector<16xf32>,
      %sub3A_318 = arith.subf %max3A_270, %select_n3A_316 : vector<16xf32>
      %add3A_319 = arith.addf %mul3A_308, %sub3A_318 : vector<16xf32>
      %mul3A_320 = arith.mulf %add3A_319, %gather3A_317 : vector<16xf32>
      %add3A_321 = arith.addf %add3A_248, %mul3A_320 : vector<16xf32>
      scf.yield %add3A_321 : vector<16xf32>
    }
    %scan3A_31 = arith.constant 16 : i32
    %swap3A_32 = arith.constant 0 : index
    %swap3A_33 = tpu.vector_load %arg12[%swap3A_32] {strides = array<i32>} : memref<16xf32, #tpu.memory_space<vmem>>, vector<16xf32>,
    tpu.vector_store %arg12[%swap3A_32], %scan3A_30 {strides = array<i32>} : memref<16xf32, #tpu.memory_space<vmem>>, vector<16xf32>,
    "tpu.region"() ({
      %run_scoped3A = tpu.sem_alloc : memref<!tpu.dma_semaphore, #tpu.memory_space<semaphore_mem>>
      %dma_start3A_36 = arith.constant 0 : i32
      %dma_start3A_37 = tpu.memref_slice %arg6[%arg1, %dma_start3A_36] : memref<16x16xf32, #tpu.memory_space<hbm>> -> memref<1x16xf32, #tpu.memory_space<hbm>>
      %dma_start3A_38 = tpu.memref_squeeze %dma_start3A_37 : memref<1x16xf32, #tpu.memory_space<hbm>> -> memref<16xf32, #tpu.memory_space<hbm>>
      %dma_start3A_39 = arith.constant 0 : i32
      %dma_start3A_40 = tpu.memref_slice %arg6[%arg1, %dma_start3A_39] : memref<16x16xf32, #tpu.memory_space<hbm>> -> memref<1x16xf32, #tpu.memory_space<hbm>>
      %dma_start3A_41 = tpu.memref_squeeze %dma_start3A_40 : memref<1x16xf32, #tpu.memory_space<hbm>> -> memref<16xf32, #tpu.memory_space<hbm>>
      tpu.enqueue_dma source(%arg12 : memref<16xf32, #tpu.memory_space<vmem>>) target(%dma_start3A_41 : memref<16xf32, #tpu.memory_space<hbm>>) target_semaphore(%run_scoped3A : memref<!tpu.dma_semaphore, #tpu.memory_space<semaphore_mem>>)
      %dma_wait3A_42 = arith.constant 0 : i32
      %dma_wait3A_43 = tpu.memref_slice %arg6[%arg1, %dma_wait3A_42] : memref<16x16xf32, #tpu.memory_space<hbm>> -> memref<1x16xf32, #tpu.memory_space<hbm>>
      %dma_wait3A_44 = tpu.memref_squeeze %dma_wait3A_43 : memref<1x16xf32, #tpu.memory_space<hbm>> -> memref<16xf32, #tpu.memory_space<hbm>>
      %dma_wait3A_45 = arith.constant 0 : i32
      %dma_wait3A_46 = tpu.memref_slice %arg6[%arg1, %dma_wait3A_45] : memref<16x16xf32, #tpu.memory_space<hbm>> -> memref<1x16xf32, #tpu.memory_space<hbm>>
      %dma_wait3A_47 = tpu.memref_squeeze %dma_wait3A_46 : memref<1x16xf32, #tpu.memory_space<hbm>> -> memref<16xf32, #tpu.memory_space<hbm>>
      tpu.wait_dma2 semaphore(%run_scoped3A : memref<!tpu.dma_semaphore, #tpu.memory_space<semaphore_mem>>) src(%arg12 : memref<16xf32, #tpu.memory_space<vmem>>) dst(%dma_wait3A_47 : memref<16xf32, #tpu.memory_space<hbm>>)
      tpu.yield
    }) : () -> ()
    %barrier3A = arith.constant 0 : index
    tpu.barrier barrier_id(%barrier3A)
    %eq3A = arith.constant 0 : i32
    %eq3A_34 = arith.cmpi eq, %arg1, %eq3A : i32
    %convert_element_type3A = arith.extui %eq3A_34 : i1 to i32
    %cond3A = arith.constant 0 : i32
    %cond3A_35 = arith.cmpi ne, %convert_element_type3A, %cond3A : i32
    scf.if %cond3A_35 {
      "tpu.region"() ({
        %run_scoped3A = tpu.sem_alloc : memref<!tpu.dma_semaphore, #tpu.memory_space<semaphore_mem>>
        tpu.enqueue_dma source(%arg6 : memref<16x16xf32, #tpu.memory_space<hbm>>) target(%arg13 : memref<16x16xf32, #tpu.memory_space<vmem>>) target_semaphore(%run_scoped3A : memref<!tpu.dma_semaphore, #tpu.memory_space<semaphore_mem>>)
        tpu.wait_dma2 semaphore(%run_scoped3A : memref<!tpu.dma_semaphore, #tpu.memory_space<semaphore_mem>>) src(%arg6 : memref<16x16xf32, #tpu.memory_space<hbm>>) dst(%arg13 : memref<16x16xf32, #tpu.memory_space<vmem>>)
        tpu.yield
      }) : () -> ()
      %broadcast_in_dim3A_36 = arith.constant 0.000000e+00 : f32
      %broadcast_in_dim3A_37 = vector.broadcast %broadcast_in_dim3A_36 : f32 to vector<16xf32>
      %get3A = arith.constant 0 : i32
      %get3A_38 = arith.index_cast %get3A : i32 to index
      %get3A_39 = arith.constant 0 : index
      %get3A_40 = tpu.vector_load %arg13[%get3A_38, %get3A_39] {strides = array<i32>} : memref<16x16xf32, #tpu.memory_space<vmem>>, vector<16xf32>,
      %add3A = arith.addf %broadcast_in_dim3A_37, %get3A_40 : vector<16xf32>
      %get3A_41 = arith.constant 1 : i32
      %get3A_42 = arith.index_cast %get3A_41 : i32 to index
      %get3A_43 = arith.constant 0 : index
      %get3A_44 = tpu.vector_load %arg13[%get3A_42, %get3A_43] {strides = array<i32>} : memref<16x16xf32, #tpu.memory_space<vmem>>, vector<16xf32>,
      %add3A_45 = arith.addf %add3A, %get3A_44 : vector<16xf32>
      %get3A_46 = arith.constant 2 : i32
      %get3A_47 = arith.index_cast %get3A_46 : i32 to index
      %get3A_48 = arith.constant 0 : index
      %get3A_49 = tpu.vector_load %arg13[%get3A_47, %get3A_48] {strides = array<i32>} : memref<16x16xf32, #tpu.memory_space<vmem>>, vector<16xf32>,
      %add3A_50 = arith.addf %add3A_45, %get3A_49 : vector<16xf32>
      %get3A_51 = arith.constant 3 : i32
      %get3A_52 = arith.index_cast %get3A_51 : i32 to index
      %get3A_53 = arith.constant 0 : index
      %get3A_54 = tpu.vector_load %arg13[%get3A_52, %get3A_53] {strides = array<i32>} : memref<16x16xf32, #tpu.memory_space<vmem>>, vector<16xf32>,
      %add3A_55 = arith.addf %add3A_50, %get3A_54 : vector<16xf32>
      %get3A_56 = arith.constant 4 : i32
      %get3A_57 = arith.index_cast %get3A_56 : i32 to index
      %get3A_58 = arith.constant 0 : index
      %get3A_59 = tpu.vector_load %arg13[%get3A_57, %get3A_58] {strides = array<i32>} : memref<16x16xf32, #tpu.memory_space<vmem>>, vector<16xf32>,
      %add3A_60 = arith.addf %add3A_55, %get3A_59 : vector<16xf32>
      %get3A_61 = arith.constant 5 : i32
      %get3A_62 = arith.index_cast %get3A_61 : i32 to index
      %get3A_63 = arith.constant 0 : index
      %get3A_64 = tpu.vector_load %arg13[%get3A_62, %get3A_63] {strides = array<i32>} : memref<16x16xf32, #tpu.memory_space<vmem>>, vector<16xf32>,
      %add3A_65 = arith.addf %add3A_60, %get3A_64 : vector<16xf32>
      %get3A_66 = arith.constant 6 : i32
      %get3A_67 = arith.index_cast %get3A_66 : i32 to index
      %get3A_68 = arith.constant 0 : index
      %get3A_69 = tpu.vector_load %arg13[%get3A_67, %get3A_68] {strides = array<i32>} : memref<16x16xf32, #tpu.memory_space<vmem>>, vector<16xf32>,
      %add3A_70 = arith.addf %add3A_65, %get3A_69 : vector<16xf32>
      %get3A_71 = arith.constant 7 : i32
      %get3A_72 = arith.index_cast %get3A_71 : i32 to index
      %get3A_73 = arith.constant 0 : index
      %get3A_74 = tpu.vector_load %arg13[%get3A_72, %get3A_73] {strides = array<i32>} : memref<16x16xf32, #tpu.memory_space<vmem>>, vector<16xf32>,
      %add3A_75 = arith.addf %add3A_70, %get3A_74 : vector<16xf32>
      %get3A_76 = arith.constant 8 : i32
      %get3A_77 = arith.index_cast %get3A_76 : i32 to index
      %get3A_78 = arith.constant 0 : index
      %get3A_79 = tpu.vector_load %arg13[%get3A_77, %get3A_78] {strides = array<i32>} : memref<16x16xf32, #tpu.memory_space<vmem>>, vector<16xf32>,
      %add3A_80 = arith.addf %add3A_75, %get3A_79 : vector<16xf32>
      %get3A_81 = arith.constant 9 : i32
      %get3A_82 = arith.index_cast %get3A_81 : i32 to index
      %get3A_83 = arith.constant 0 : index
      %get3A_84 = tpu.vector_load %arg13[%get3A_82, %get3A_83] {strides = array<i32>} : memref<16x16xf32, #tpu.memory_space<vmem>>, vector<16xf32>,
      %add3A_85 = arith.addf %add3A_80, %get3A_84 : vector<16xf32>
      %get3A_86 = arith.constant 10 : i32
      %get3A_87 = arith.index_cast %get3A_86 : i32 to index
      %get3A_88 = arith.constant 0 : index
      %get3A_89 = tpu.vector_load %arg13[%get3A_87, %get3A_88] {strides = array<i32>} : memref<16x16xf32, #tpu.memory_space<vmem>>, vector<16xf32>,
      %add3A_90 = arith.addf %add3A_85, %get3A_89 : vector<16xf32>
      %get3A_91 = arith.constant 11 : i32
      %get3A_92 = arith.index_cast %get3A_91 : i32 to index
      %get3A_93 = arith.constant 0 : index
      %get3A_94 = tpu.vector_load %arg13[%get3A_92, %get3A_93] {strides = array<i32>} : memref<16x16xf32, #tpu.memory_space<vmem>>, vector<16xf32>,
      %add3A_95 = arith.addf %add3A_90, %get3A_94 : vector<16xf32>
      %get3A_96 = arith.constant 12 : i32
      %get3A_97 = arith.index_cast %get3A_96 : i32 to index
      %get3A_98 = arith.constant 0 : index
      %get3A_99 = tpu.vector_load %arg13[%get3A_97, %get3A_98] {strides = array<i32>} : memref<16x16xf32, #tpu.memory_space<vmem>>, vector<16xf32>,
      %add3A_100 = arith.addf %add3A_95, %get3A_99 : vector<16xf32>
      %get3A_101 = arith.constant 13 : i32
      %get3A_102 = arith.index_cast %get3A_101 : i32 to index
      %get3A_103 = arith.constant 0 : index
      %get3A_104 = tpu.vector_load %arg13[%get3A_102, %get3A_103] {strides = array<i32>} : memref<16x16xf32, #tpu.memory_space<vmem>>, vector<16xf32>,
      %add3A_105 = arith.addf %add3A_100, %get3A_104 : vector<16xf32>
      %get3A_106 = arith.constant 14 : i32
      %get3A_107 = arith.index_cast %get3A_106 : i32 to index
      %get3A_108 = arith.constant 0 : index
      %get3A_109 = tpu.vector_load %arg13[%get3A_107, %get3A_108] {strides = array<i32>} : memref<16x16xf32, #tpu.memory_space<vmem>>, vector<16xf32>,
      %add3A_110 = arith.addf %add3A_105, %get3A_109 : vector<16xf32>
      %get3A_111 = arith.constant 15 : i32
      %get3A_112 = arith.index_cast %get3A_111 : i32 to index
      %get3A_113 = arith.constant 0 : index
      %get3A_114 = tpu.vector_load %arg13[%get3A_112, %get3A_113] {strides = array<i32>} : memref<16x16xf32, #tpu.memory_space<vmem>>, vector<16xf32>,
      %add3A_115 = arith.addf %add3A_110, %get3A_114 : vector<16xf32>
      %reduce_sum3A = arith.constant true
      %reduce_sum3A_116 = vector.broadcast %reduce_sum3A : i1 to vector<16xi1>
      %reduce_sum3A_117 = tpu.scan <sum>, %add3A_115 masked %reduce_sum3A_116 : vector<16xf32>, vector<16xi1> -> vector<16xf32>
      %reduce_sum3A_118 = vector.extract %reduce_sum3A_117[15] : f32 from vector<16xf32>
      %broadcast_in_dim3A_119 = vector.broadcast %reduce_sum3A_118 : f32 to vector<16xf32>
      %swap3A_120 = arith.constant 0 : index
      %swap3A_121 = tpu.vector_load %arg12[%swap3A_120] {strides = array<i32>} : memref<16xf32, #tpu.memory_space<vmem>>, vector<16xf32>,
      tpu.vector_store %arg12[%swap3A_120], %broadcast_in_dim3A_119 {strides = array<i32>} : memref<16xf32, #tpu.memory_space<vmem>>, vector<16xf32>,
      "tpu.region"() ({
        %run_scoped3A = tpu.sem_alloc : memref<!tpu.dma_semaphore, #tpu.memory_space<semaphore_mem>>
        %dma_start3A_122 = arith.constant 0 : i32
        %dma_start3A_123 = tpu.memref_slice %arg12[%dma_start3A_122] : memref<16xf32, #tpu.memory_space<vmem>> -> memref<1xf32, #tpu.memory_space<vmem>>
        %dma_start3A_124 = arith.constant 0 : i32
        %dma_start3A_125 = tpu.memref_slice %arg12[%dma_start3A_124] : memref<16xf32, #tpu.memory_space<vmem>> -> memref<1xf32, #tpu.memory_space<vmem>>
        tpu.enqueue_dma source(%dma_start3A_125 : memref<1xf32, #tpu.memory_space<vmem>>) target(%arg7 : memref<1xf32, #tpu.memory_space<hbm>>) target_semaphore(%run_scoped3A : memref<!tpu.dma_semaphore, #tpu.memory_space<semaphore_mem>>)
        %dma_wait3A_126 = arith.constant 0 : i32
        %dma_wait3A_127 = tpu.memref_slice %arg12[%dma_wait3A_126] : memref<16xf32, #tpu.memory_space<vmem>> -> memref<1xf32, #tpu.memory_space<vmem>>
        %dma_wait3A_128 = arith.constant 0 : i32
        %dma_wait3A_129 = tpu.memref_slice %arg12[%dma_wait3A_128] : memref<16xf32, #tpu.memory_space<vmem>> -> memref<1xf32, #tpu.memory_space<vmem>>
        tpu.wait_dma2 semaphore(%run_scoped3A : memref<!tpu.dma_semaphore, #tpu.memory_space<semaphore_mem>>) src(%dma_wait3A_129 : memref<1xf32, #tpu.memory_space<vmem>>) dst(%arg7 : memref<1xf32, #tpu.memory_space<hbm>>)
        tpu.yield
      }) : () -> ()
    } else {
    }
    return
  }
}

</mosaic_0001>

<sc_bundles>
// kernel: kernel.3.cloned.1.call-start
scs
__scs_entry_jumppad:
0x0: {  	(pc) =	sbr.rel $0x88, $3  }
0x1: {  	(tag) =	ssettag $0x0;
	lr =	simm.s32 $0x1  }
0x2: {  	[smem:$0x3F9D] =	sst lr;
	_ =	strace $0xD0000000  }
0x3: {  	_ = 	snop  }
0x4: {  	_ = 	snop  }
0x5: {  	_ = 	snop  }
0x6: {  	_ = 	snop  }
0x7: {  	_ = 	snop  }
__scs_overlays_trampoline_lowered:
0x8: {  	[smem:$0x3FAC] =	sst s0  }
0x9: {  	[smem:$0x3FAD] =	sst s1  }
0xa: {  	[smem:$0x3FAE] =	sst s2  }
0xb: {  	[smem:$0x3FAF] =	sst s3  }
0xc: {  	[smem:$0x3FB0] =	sst s4  }
0xd: {  	[smem:$0x3FB1] =	sst s5  }
0xe: {  	[smem:$0x3FB2] =	sst s6  }
0xf: {  	[smem:$0x3FB3] =	sst s7  }
0x10: {  	[smem:$0x3FB4] =	sst s8  }
0x11: {  	[smem:$0x3FB5] =	sst s9;
	s0 =	simm.s32 @!p0 $0x0  }
0x12: {  	s1 =	sld [smem:$0x3F9B];
	s0 =	simm.s32 @p0 $0x1  }
0x13: {  	[smem:$0x3FB6] =	sst s0;
	s0 =	simm.s32 @!p1 $0x0  }
0x14: {  	s2 =	sld [smem:$0x3F9A];
	s0 =	simm.s32 @p1 $0x1  }
0x15: {  	[smem:$0x3FB7] =	sst s0;
	s0 =	simm.s32 @!p2 $0x0  }
0x16: {  	s3 =	sld [smem:$0x3FDB];
	s0 =	simm.s32 @p2 $0x1  }
0x17: {  	s4 =	simm.s32 $0x1BF5;
	[smem:$0x3FB9] =	sst s0  }
0x18: {  	s0 =	sld [smem:$0x3F9C];
	_ =	swait.ge [sflag:s4], $0x0  }
0x19: {  	s7 =	sld [smem:$0x3F9D]  }
0x1a: {  	s8 =	sadd.s32 $0xFFFFE003, lr  }
0x1b: {  	s9 =	sadd.s32 $0xFFFFFEF7, lr;
	s5 =	simm.s32 $0xFFFFFFFF;
	p2 =	slt.u32 s8, $0xFFFFF086  }
0x1c: {  	p1 =	slt.u32 s9, $0xF7A;
	s5 =	simm.s32 @!p2 $0x0  }
0x1d: {  	s5 =	simm.s32 @p1 $0x1;
	p0 =	seq.s32 s7, s2  }
0x1e: {  	s7 =	smul.u32 @!p0 $0xF7A, s2;
	p2 =	seq.s32 @!p0 s5, $0x0  }
0x1f: {  	s9 =	smul.u32 $0xF7A, s1;
	s8 =	simm.s32 @!p0 $0x1BF5;
	p2 =	por !p2, p0  }
0x20: {  	[sflag:s8] =	ssyncset.s32 @!p0 $0xFFFFF086;
	s6 =	sadd.s32 @!p0 s3, s7;
	s7 =	simm.s32 @!p0 $0x108  }
0x21: {  	s3 =	sadd.s32 s3, s9;
	s6 =	sadd.s32 @!p0 $0x88, s6;
	s7 =	simm.s32 @p2 $0x1082  }
0x22: {  	[simem:s7], [sflag:s8] =	dma.local @!p0 [hbm:s6], $0xF7A  }
0x23: {  	s9 =	sor.u32 $0xD0000000, s2;
	s6 =	simm.s32 $0x108;
	_ =	swait.ge @!p0 [sflag:s8], $0x0  }
0x24: {  	s3 =	sadd.s32 $0x88, s3;
	s6 =	simm.s32 @!p1 $0x1082;
	[sflag:s4] =	ssyncset.s32 $0xFFFFF086  }
0x25: {  	[simem:s6], [sflag:s4] =	dma.local [hbm:s3], $0xF7A  }
0x26: {  	[smem:$0x3F9D] =	sst s1;
	(tag) =	ssettag s2;
	_ =	strace s9  }
0x27: {  	s1 =	sld [smem:$0x3FAD]  }
0x28: {  	s2 =	sld [smem:$0x3FAE]  }
0x29: {  	s4 =	sld [smem:$0x3FB0]  }
0x2a: {  	p0 =	seq.s32 s5, $0x0;
	s5 =	sld [smem:$0x3FB1]  }
0x2b: {  	s6 =	sld [smem:$0x3FB2]  }
0x2c: {  	s7 =	sld [smem:$0x3FB3]  }
0x2d: {  	s3 =	simm.s32 $0x108;
	s8 =	sld [smem:$0x3FB4]  }
0x2e: {  	s3 =	simm.s32 @!p0 $0x1082;
	s9 =	sld [smem:$0x3FB5]  }
0x2f: {  	lr =	sadd.s32 s0, s3;
	s0 =	sld [smem:$0x3FAC]  }
0x30: {  	s3 =	sld [smem:$0x3FAF]  }
0x31: {  	[smem:$0x3FB8] =	sst s10  }
0x32: {  	s10 =	sld [smem:$0x3FB6];
	_ =	sdelay $0x3  }
0x33: {  	p0 =	seq.s32 s10, $0x1;
	s10 =	sld [smem:$0x3FB8];
	_ =	sdelay $0x3  }
0x34: {  	[smem:$0x3FB8] =	sst s10  }
0x35: {  	s10 =	sld [smem:$0x3FB7];
	_ =	sdelay $0x3  }
0x36: {  	p1 =	seq.s32 s10, $0x1;
	s10 =	sld [smem:$0x3FB8];
	_ =	sdelay $0x3  }
0x37: {  	[smem:$0x3FB8] =	sst s10  }
0x38: {  	s10 =	sld [smem:$0x3FB9]  }
0x39: {  	_ = 	snop;
	(pc) =	sbr.ind lr, $3  }
0x3a: {  	_ = 	snop  }
0x3b: {  	_ = 	snop  }
0x3c: {  	p2 =	seq.s32 s10, $0x1;
	s10 =	sld [smem:$0x3FB8]  }
0x3d: {  	_ =	shalt  }
0x3e: {  	_ =	shalt  }
0x3f: {  	_ =	shalt  }
0x40: {  	_ =	shalt  }
0x41: {  	_ =	shalt  }
0x42: {  	_ =	shalt  }
0x43: {  	_ =	shalt  }
0x44: {  	_ =	shalt  }
0x45: {  	_ =	shalt  }
0x46: {  	_ =	shalt  }
0x47: {  	_ =	shalt  }
0x48: {  	_ =	shalt  }
0x49: {  	_ =	shalt  }
0x4a: {  	_ =	shalt  }
0x4b: {  	_ =	shalt  }
0x4c: {  	_ =	shalt  }
0x4d: {  	_ =	shalt  }
0x4e: {  	_ =	shalt  }
0x4f: {  	_ =	shalt  }
0x50: {  	_ =	shalt  }
0x51: {  	_ =	shalt  }
0x52: {  	_ =	shalt  }
0x53: {  	_ =	shalt  }
0x54: {  	_ =	shalt  }
0x55: {  	_ =	shalt  }
0x56: {  	_ =	shalt  }
0x57: {  	_ =	shalt  }
0x58: {  	_ =	shalt  }
0x59: {  	_ =	shalt  }
0x5a: {  	_ =	shalt  }
0x5b: {  	_ =	shalt  }
0x5c: {  	_ =	shalt  }
0x5d: {  	_ =	shalt  }
0x5e: {  	_ =	shalt  }
0x5f: {  	_ =	shalt  }
0x60: {  	_ =	shalt  }
0x61: {  	_ =	shalt  }
0x62: {  	_ =	shalt  }
0x63: {  	_ =	shalt  }
0x64: {  	_ =	shalt  }
0x65: {  	_ =	shalt  }
0x66: {  	_ =	shalt  }
0x67: {  	_ =	shalt  }
0x68: {  	_ =	shalt  }
0x69: {  	_ =	shalt  }
0x6a: {  	_ =	shalt  }
0x6b: {  	_ =	shalt  }
0x6c: {  	_ =	shalt  }
0x6d: {  	_ =	shalt  }
0x6e: {  	_ =	shalt  }
0x6f: {  	_ =	shalt  }
0x70: {  	_ =	shalt  }
0x71: {  	_ =	shalt  }
0x72: {  	_ =	shalt  }
0x73: {  	_ =	shalt  }
0x74: {  	_ =	shalt  }
0x75: {  	_ =	shalt  }
0x76: {  	_ =	shalt  }
0x77: {  	_ =	shalt  }
0x78: {  	_ =	shalt  }
0x79: {  	_ =	shalt  }
0x7a: {  	_ =	shalt  }
0x7b: {  	_ =	shalt  }
0x7c: {  	_ =	shalt  }
0x7d: {  	_ =	shalt  }
0x7e: {  	_ =	shalt  }
0x7f: {  	_ =	shalt  }
0x80: {  	_ =	shalt  }
0x81: {  	_ =	shalt  }
0x82: {  	_ =	shalt  }
0x83: {  	_ =	shalt  }
0x84: {  	_ =	shalt  }
0x85: {  	_ =	shalt  }
0x86: {  	_ =	shalt  }
0x87: {  	_ =	shalt  }
.Lfunc_end0:
.L_simem_size_0:
called_computation_lowered:
.L_overlay_start_0:
0x88: {  	s0 =	sld [smem:$0x3FD9]  }
0x89: {  	s1 =	sld [smem:$0x3FFE];
	_ =	sdelay $0x3  }
0x8a: {  	s0 =	sadd.s32 s1, s0  }
0x8b: {  	[smem:$0x3FC4] =	sst s0  }
0x8c: {  	_ = 	snop  }
0x8d: {  	s0 =	sld [smem:$0x3FC9]  }
0x8e: {  	s16 =	sld [smem:$0x3FC8]  }
0x8f: {  	s2 =	sld [smem:$0x3FC7]  }
0x90: {  	s3 =	sld [smem:$0x3FC6]  }
0x91: {  	s4 =	sld [smem:$0x3FD0];
	(tm) =	ssettm $0x1  }
0x92: {  	s5 =	sld [smem:$0x3FFB];
	_ =	sdelay $0x3  }
0x93: {  	_ =	strace s5  }
0x94: {  	s5 =	sld [smem:$0x3FFC];
	_ =	sdelay $0x3  }
0x95: {  	_ =	strace s5  }
0x96: {  	s5 =	sld [smem:$0x3FFD];
	_ =	sdelay $0x3  }
0x97: {  	_ =	strace s5  }
0x98: {  	_ =	strace $0x8FFFFFFF  }
0x99: {  	s17 =	sld [smem:$0x3FDB];
	_ =	sdelay $0x1  }
0x9a: {  	s6 =	simm.s32 $_scs_section_size  }
0x9b: {  	s7 =	simm.s32 $_size__tile_overlayer_lowered;
	s8 =	simm.s32 $_tile_overlayer_lowered  }
0x9c: {  	s20 =	simm.s32 $0x1BFF;
	s19 =	sshll.u32 s8, $0x1;
	s5 =	sadd.s32 s6, s17  }
0x9d: {  	s9 =	simm.s32 $0x0;
	s18 =	sshll.u32 s7, $0x1;
	s7 =	sadd.s32 s19, s5  }
0x9e: {  	[timem:s9], [sflag:s20] =	dma.local [hbm:s7], s18  }
0x9f: {  	_ =	swait.ge [sflag:s20], s18  }
0xa0: {  	s6 =	ssub.s32 $0x0, s18;
	[sflag:s20] =	ssyncset.done $0x0  }
0xa1: {  	[sflag:s20] =	ssyncadd.s32 s6;
	_ =	sdelay $0x1  }
0xa2: {  	s21 =	simm.s32 $0x1B8B  }
0xa3: {  	_ =	swait.ge [sflag:s21], $0x1  }
0xa4: {  	[sflag:s21] =	ssyncset.done $0x0  }
0xa5: {  	s23 =	simm.s32 $0x1B8E;
	s22 =	sld [smem:$0x3FFE];
	[sflag:s21] =	ssyncadd.s32 $0xFFFFFFFF  }
0xa6: {  	s24 =	simm.s32 $execute0_lowered;
	[smem:$0x3FD2] =	sst s23  }
0xa7: {  	s7 =	sshll.u32 s24, $0x1;
	_ =	strace $0x80000046;
	[dreg:$0x1] =	wrdreg $0xFFFFFFFF  }
0xa8: {  	s25 =	simm.s32 $_size_execute0_lowered;
	s5 =	sadd.s32 s5, s7;
	[dreg:$0x0] =	wrdreg $0x0  }
0xa9: {  	s7 =	sshll.u32 s25, $0x1;
	[dreg:$0x2] =	wrdreg s5  }
0xaa: {  	[dreg:$0x3] =	wrdreg s7  }
0xab: {  	[dreg:$0x4] =	wrdreg $0xC0  }
0xac: {  	_ =	task [dreg:s9], $0x5FFFF  }
0xad: {  	[dreg:$0x1] =	wrdreg $0xFFFFFFFF  }
0xae: {  	[dreg:$0x0] =	wrdreg $0x60  }
0xaf: {  	[dreg:$0x2] =	wrdreg s0  }
0xb0: {  	[dreg:$0x3] =	wrdreg s16  }
0xb1: {  	[dreg:$0x4] =	wrdreg s2  }
0xb2: {  	[dreg:$0x5] =	wrdreg s3  }
0xb3: {  	[dreg:$0x6] =	wrdreg s22  }
0xb4: {  	[dreg:$0x7] =	wrdreg s4  }
0xb5: {  	[dreg:$0x8] =	wrdreg $0x9  }
0xb6: {  	_ =	task.clear_ibuf [dreg:s9], $0x9FFFF;
	_ =	strace $0x90000046  }
0xb7: {  	s26 =	simm.s32 $0x9;
	_ =	strace $0x80000048  }
0xb8: {  	_ =	swait.ge [sflag:s26], $0x1  }
0xb9: {  	[sflag:s26] =	ssyncadd.s32 $0xFFFFFFFF  }
0xba: {  	_ =	strace $0x90000048  }
0xbb: {  	_ =	sfence  }
0xbc: {  	s28 =	sld [smem:$0x0];
	_ =	sdelay $0x1  }
0xbd: {  	s29 =	srdreg.scid  }
0xbe: {  	s30 =	sshll.u32 s29, $0xD;
	s31 =	sshrl.u32 s29, $0x2  }
0xbf: {  	s1 =	sand.u32 $0x1, s29;
	s2 =	sand.u32 $0x4000, s30;
	s0 =	sadd.s32 s31, s28  }
0xc0: {  	s1 =	sor.u32 s2, s1;
	s0 =	sshll.u32 s0, $0x11  }
0xc1: {  	s0 =	sor.u32 s0, s1  }
0xc2: {  	s0 =	sadd.s32 $0x8F2B, s0  }
0xc3: {  	[sflag:s0] =	ssyncadd.remote.s32 $0x1  }
0xc4: {  	_ =	sfence.sel $0xFFFF  }
0xc5: {  	[dreg:$0x0] =	wrdreg $0xFFFFFFFF;
	(pc) =	sbr.abs _section_cstart, $3  }
0xc6: {  	[dreg:$0x1] =	wrdreg $0xFFFFFFFF  }
0xc7: {  	_ =	task.clear_ibuf [dreg:s9], $0x2FFFF;
	_ =	strace $0x9FFFFFFF  }
0xc8: {  	(tm) =	ssettm $0x7FFFFFFF  }
0xc9: {  	_ =	shalt  }
tec
execute0_lowered:
.L_overlay_start_1:
0x0: {  	(tag) =	ssettag $0x1  }
0x1: {  	s6 =	rddreg [dreg:$0x0]  }
0x2: {  	s7 =	rddreg [dreg:$0x1]  }
0x3: {  	s8 =	rddreg [dreg:$0x2]  }
0x4: {  	s9 =	rddreg [dreg:$0x3]  }
0x5: {  	s4 =	rddreg [dreg:$0x4]  }
0x6: {  	s1 =	rddreg [dreg:$0x5]  }
0x7: {  	s0 =	rddreg [dreg:$0x6];
	s5 =	simm.s32 $0x0  }
0x8: {  	s2 =	stileid.u32;
	v0 =	vimm.f32 $0.0e+00;
	[smem:$0x7FF] =	sst s5  }
0x9: {  	s3 =	simm.s32 $0x1800;
	s10 =	sshll.u32 s2, $0x9;
	_ =	strace $0x80000047;
	[tilespmem:$0x1800] =	vst v0  }
0xa: {  	[tilespmem:s3], [sflag:$0x1] =	stream.linear.gather [hbm4b:s9+s5], $0x2, $0x38;
	[tilespmem:$0x2100] =	vst v63  }
0xb: {  	s16 =	sshll.u32 s2, $0x7;
	s6 =	sadd.s32 s6, s10  }
0xc: {  	[tilespmem:s5], [sflag:$0x2] =	stream.linear.gather [hbm4b:s6+s5], $0x1000, $0x38;
	[tilespmem:$0x2100] =	vst v63  }
0xd: {  	s18 =	simm.s32 $0x1000;
	s17 =	sadd.s32 s7, s16  }
0xe: {  	[tilespmem:s18], [sflag:$0x3] =	stream.linear.gather [hbm4b:s17+s5], $0x400, $0x38;
	[tilespmem:$0x2100] =	vst v63  }
0xf: {  	s20 =	simm.s32 $0x1400;
	s21 =	simm.s32 $0x1;
	s19 =	sadd.s32 s8, s16  }
0x10: {  	[tilespmem:s20], [sflag:$0x4] =	stream.linear.gather [hbm4b:s19+s5], $0x400, $0x38;
	[tilespmem:$0x2100] =	vst v63  }
0x11: {  	_ =	swait.ge [sflag:s21], $0x2  }
0x12: {  	[sflag:s21] =	ssyncset.done $0x0  }
0x13: {  	s22 =	simm.s32 $0x2;
	[sflag:s21] =	ssyncadd.s32 $0xFFFFFFFE  }
0x14: {  	_ =	swait.ge [sflag:s22], $0x1000  }
0x15: {  	[sflag:s22] =	ssyncset.done $0x0  }
0x16: {  	s23 =	simm.s32 $0x3;
	[sflag:s22] =	ssyncadd.s32 $0xFFFFF000  }
0x17: {  	_ =	swait.ge [sflag:s23], $0x400  }
0x18: {  	[sflag:s23] =	ssyncset.done $0x0  }
0x19: {  	s24 =	simm.s32 $0x4;
	[sflag:s23] =	ssyncadd.s32 $0xFFFFFC00  }
0x1a: {  	s25 =	sand.u32 $0x40, s5;
	_ =	swait.ge [sflag:s24], $0x400  }
0x1b: {  	s26 =	sand.u32 $0xE00, s5;
	s28 =	sor.u32 $0x30, s25;
	[sflag:s24] =	ssyncset.done $0x0  }
0x1c: {  	s29 =	sor.u32 s28, s26;
	[sflag:s24] =	ssyncadd.s32 $0xFFFFFC00  }
0x1d: {  	s11 =	sor.u32 $0x20, s25;
	v11 =	vld [tilespmem:s29+$0x80]  }
0x1e: {  	s30 =	sor.u32 s11, s26;
	v13 =	vld [tilespmem:s29+$0x100]  }
0x1f: {  	s12 =	sor.u32 $0x10, s25;
	v16 =	vld [tilespmem:s30+$0x80]  }
0x20: {  	s13 =	sor.u32 s12, s26;
	v18 =	vld [tilespmem:s30+$0x100]  }
0x21: {  	v20 =	vld [tilespmem:s13+$0x80]  }
0x22: {  	s7 =	sor.u32 s25, s26;
	v24 =	vld [tilespmem:s13+$0x100]  }
0x23: {  	v2 =	vld [tilespmem:s7+$0x80]  }
0x24: {  	v22 =	vld [tilespmem:s30+$0x0]  }
0x25: {  	v19 =	vld [tilespmem:s29+$0x0]  }
0x26: {  	v21 =	vld [tilespmem:s13+$0x0]  }
0x27: {  	v6 =	vld [tilespmem:s7+$0x100]  }
0x28: {  	v25 =	vld [tilespmem:s7+$0x0];
	v1 =	vmax.f32 v16, v18  }
0x29: {  	v3 =	vmax.f32 v11, v13;
	v23 =	vmax.f32 v22, v1  }
0x2a: {  	v4 =	vmax.f32 v20, v24;
	v1 =	vmax.f32 v19, v3;
	v3 =	vsub.f32 v18, v23  }
0x2b: {  	v12 =	vmax.f32 v21, v4;
	v4 =	vsub.f32 v19, v1  }
0x2c: {  	v5 =	vmax.f32 v2, v6;
	v7 =	vsub.f32 v24, v12;
	v3 =	vmul.f32 $1.442695020e+00, v3  }
0x2d: {  	v26 =	vmax.f32 v25, v5;
	v5 =	vsub.f32 v22, v23;
	v4 =	vmul.f32 $1.442695020e+00, v4  }
0x2e: {  	v8 =	vsub.f32 v6, v26;
	v7 =	vmul.f32 $1.442695020e+00, v7;
	(erf) = vpow2.f32 v3  }
0x2f: {  	v5 =	vmul.f32 $1.442695020e+00, v5;
	v3 =	vsub.f32 v21, v12;
	(erf) = vpow2.f32 v4  }
0x30: {  	v4 =	vmul.f32 $1.442695020e+00, v8;
	v8 =	vsub.f32 v25, v26;
	(erf) = vpow2.f32 v7  }
0x31: {  	v3 =	vmul.f32 $1.442695020e+00, v3;
	v7 =	vsub.f32 v2, v26;
	(erf) = vpow2.f32 v5  }
0x32: {  	v5 =	vmul.f32 $1.442695020e+00, v8;
	(erf) = vpow2.f32 v4  }
0x33: {  	v7 =	vmul.f32 $1.442695020e+00, v7;
	(erf) = vpow2.f32 v3  }
0x34: {  	(erf) = vpow2.f32 v5  }
0x35: {  	(erf) = vpow2.f32 v7  }
0x36: {  	v4 =	vsub.f32 v20, v12  }
0x37: {  	v3 =	vsub.f32 v16, v23;
	v29 =	vpop (erf)  }
0x38: {  	s31 =	sand.u32 $0x380, s5;
	s10 =	simm.s32 $0x0;
	v5 =	vmul.f32 $1.442695020e+00, v4;
	v7 =	vsub.f32 v11, v1;
	v30 =	vpop (erf)  }
0x39: {  	s5 =	simm.s32 $0x40;
	v9 =	vld [tilespmem:s10+$0x1000];
	s7 =	sor.u32 s31, s28;
	v8 =	vmul.f32 $1.442695020e+00, v3;
	v31 =	vpop (erf)  }
0x3a: {  	s6 =	simm.s32 $0x100;
	s14 =	sand.u32 $0x40, s5;
	v14 =	vld [tilespmem:s7+$0x1000];
	v17 =	vsub.f32 v13, v1;
	(erf) = vpow2.f32 v5;
	v15 =	vmul.f32 $1.442695020e+00, v7;
	v32 =	vpop (erf)  }
0x3b: {  	s9 =	sor.u32 s31, s11;
	s15 =	sand.u32 $0xE00, s6;
	s11 =	sor.u32 $0x20, s14;
	(erf) = vpow2.f32 v8;
	v33 =	vpop (erf)  }
0x3c: {  	s17 =	sor.u32 s11, s15;
	v27 =	vld [tilespmem:s9+$0x1000];
	v17 =	vmul.f32 $1.442695020e+00, v17;
	(erf) = vpow2.f32 v15;
	v34 =	vpop (erf)  }
0x3d: {  	s8 =	sor.u32 $0x30, s14;
	s13 =	sor.u32 s31, s12;
	v10 =	vld [tilespmem:s17+$0x100];
	v35 =	vpop (erf)  }
0x3e: {  	s16 =	sor.u32 s8, s15;
	v28 =	vld [tilespmem:s13+$0x1000];
	vm3 =	veq.s32 v9, $0x0;
	vm4 =	veq.s32 v9, $0x1;
	(erf) = vpow2.f32 v17;
	v9 =	vpop (erf)  }
0x3f: {  	vm2 =	veq.s32 v14, $0x0;
	vm5 =	veq.s32 v14, $0x1;
	v4 =	vld [tilespmem:s16+$0x100];
	v14 =	vadd.f32 v9, v35  }
0x40: {  	s12 =	sor.u32 $0x10, s14;
	v3 =	vld [tilespmem:s16+$0x80]  }
0x41: {  	s18 =	sor.u32 s12, s15;
	v7 =	vld [tilespmem:s17+$0x80];
	v33 =	vadd.f32 v14, v33  }
0x42: {  	vm1 =	veq.s32 v27, $0x0;
	vm6 =	veq.s32 v27, $0x1;
	v27 =	vsel vm4, v2, v6;
	v5 =	vld [tilespmem:s18+$0x80]  }
0x43: {  	vm15 =	veq.s32 v28, $0x1;
	v38 =	vsel vm5, v11, v13;
	v8 =	vld [tilespmem:s18+$0x100];
	v6 =	vpop (erf);
	v11 =	vadd.f32 $1.000000000e+00, v33  }
0x44: {  	vm0 =	veq.s32 v28, $0x0;
	v24 =	vsel vm15, v20, v24;
	v2 =	vld [tilespmem:s16+$0x0];
	v34 =	vadd.f32 v6, v34;
	v14 =	vpop (erf)  }
0x45: {  	s14 =	sor.u32 s14, s15;
	v19 =	vsel vm2, v19, v38;
	v25 =	vsel vm3, v25, v27;
	v6 =	vld [tilespmem:s18+$0x0];
	v32 =	vadd.f32 v14, v32;
	v13 =	vpop (erf)  }
0x46: {  	v15 =	vld [tilespmem:s14+$0x80];
	v34 =	vadd.f32 v34, v31;
	v13 =	vadd.f32 v13, v30;
	(erf) = vrcp.f32 v11  }
0x47: {  	v17 =	vld [tilespmem:s14+$0x100];
	v36 =	vmax.f32 v3, v4;
	v61 =	vmax.f32 v7, v10;
	v27 =	vadd.f32 v32, v29;
	v11 =	vpop (erf)  }
0x48: {  	v28 =	vmax.f32 v5, v8;
	v9 =	vld [tilespmem:s17+$0x0];
	v29 =	vadd.f32 $1.000000000e+00, v34;
	v62 =	vadd.f32 v13, v11  }
0x49: {  	v31 =	vsel vm6, v16, v18;
	v16 =	vmax.f32 v2, v36;
	v14 =	vld [tilespmem:s14+$0x0];
	v20 =	vadd.f32 $1.000000000e+00, v27  }
0x4a: {  	v18 =	vmax.f32 v6, v28;
	(erf) = vrcp.f32 v29;
	v28 =	vadd.f32 $1.000000000e+00, v62  }
0x4b: {  	(erf) = vrcp.f32 v20;
	v20 =	vsub.f32 v26, v25;
	v25 =	vsub.f32 v2, v16  }
0x4c: {  	v37 =	vmax.f32 v15, v17;
	v44 =	vsel vm1, v22, v31;
	v31 =	vsel vm0, v21, v24  }
0x4d: {  	v24 =	vadd.f32 $-1.000000000e+00, v33;
	v11 =	vmax.f32 v9, v61;
	(erf) = vrcp.f32 v28  }
0x4e: {  	v13 =	vmax.f32 v14, v37;
	v29 =	vsub.f32 v10, v11;
	v30 =	vsub.f32 v9, v11  }
0x4f: {  	v26 =	vsub.f32 v3, v16;
	v22 =	vsub.f32 v17, v13;
	v45 =	vmul.f32 $1.442695020e+00, v25;
	v25 =	vpop (erf)  }
0x50: {  	v37 =	vmul.f32 $1.442695020e+00, v30;
	v30 =	vmul.f32 v25, v24;
	v24 =	vadd.f32 $-1.000000000e+00, v34  }
0x51: {  	v41 =	vmul.f32 $1.442695020e+00, v29;
	v29 =	vsub.f32 v6, v18;
	v28 =	vsub.f32 v8, v18  }
0x52: {  	v21 =	vmul.f32 $1.442695020e+00, v26;
	v35 =	vmul.f32 $1.442695020e+00, v22;
	v22 =	vadd.f32 $-1.000000000e+00, v27  }
0x53: {  	v27 =	vsub.f32 v5, v18;
	v36 =	vmul.f32 $1.442695020e+00, v29;
	v38 =	vmul.f32 $1.442695020e+00, v28;
	v26 =	vpop (erf)  }
0x54: {  	v63 =	vsub.f32 v7, v11;
	v34 =	vmul.f32 v30, v30;
	v28 =	vmul.f32 v26, v24;
	v24 =	vpop (erf)  }
0x55: {  	v33 =	vmul.f32 $1.442695020e+00, v27;
	v24 =	vmul.f32 v24, v22;
	v22 =	vadd.f32 $-1.000000000e+00, v62  }
0x56: {  	v23 =	vsub.f32 v23, v44;
	v29 =	vmul.f32 $1.111111120e-01, v34;
	v32 =	vmul.f32 v28, v28;
	v39 =	vpop (erf)  }
0x57: {  	v40 =	vsub.f32 v14, v13;
	v25 =	vmul.f32 $1.442695020e+00, v63;
	v22 =	vmul.f32 v39, v22  }
0x58: {  	v42 =	vadd.f32 $1.428571490e-01, v29;
	v43 =	vmul.f32 $1.111111120e-01, v32;
	v29 =	vmul.f32 v24, v24  }
0x59: {  	(erf) = vpow2.f32 v41;
	v26 =	vsub.f32 v4, v16;
	v27 =	vmul.f32 v22, v22  }
0x5a: {  	v41 =	vmul.f32 v42, v34;
	v42 =	vadd.f32 $1.428571490e-01, v43;
	v43 =	vmul.f32 $1.111111120e-01, v29  }
0x5b: {  	s4 =	sadd.s32 $0x800, s4;
	s14 =	simm.s32 $0x80;
	(erf) = vpow2.f32 v45;
	v39 =	vsub.f32 v15, v13;
	v44 =	vmul.f32 $1.111111120e-01, v27  }
.LBB2_1:
0x5c: {  	p0 =	sne.s32 s14, $0x3C0;
	v45 =	vld [tilespmem:s10+$0x1400];
	v41 =	vadd.f32 $2.000000030e-01, v41;
	v42 =	vmul.f32 v42, v32;
	v43 =	vadd.f32 $1.428571490e-01, v43  }
0x5d: {  	v40 =	vmul.f32 $1.442695020e+00, v40;
	(erf) = vpow2.f32 v38;
	v38 =	vadd.f32 $1.428571490e-01, v44  }
0x5e: {  	s10 =	sshra.s32 s6, $0x2;
	v41 =	vmul.f32 v41, v34;
	v44 =	vld [tilespmem:s13+$0x1400];
	v42 =	vadd.f32 $2.000000030e-01, v42;
	v43 =	vmul.f32 v43, v29  }
0x5f: {  	v31 =	vsub.f32 v12, v31;
	v12 =	vmovc v18;
	s13 =	sand.u32 $0x380, s5;
	s5 =	smov.u32 s14;
	v46 =	vld [tilespmem:s10+$0x1000];
	(erf) = vpow2.f32 v37;
	v37 =	vmul.f32 v38, v27  }
0x60: {  	s8 =	sor.u32 s13, s8;
	v38 =	vadd.f32 $3.333333430e-01, v41;
	v41 =	vmul.f32 v42, v32;
	v42 =	vld [tilespmem:s9+$0x1400];
	v43 =	vadd.f32 $2.000000030e-01, v43  }
0x61: {  	v39 =	vmul.f32 $1.442695020e+00, v39;
	v47 =	vld [tilespmem:s8+$0x1000];
	(erf) = vpow2.f32 v35;
	v35 =	vadd.f32 $2.000000030e-01, v37  }
0x62: {  	s9 =	sor.u32 s13, s11;
	v18 =	vpop (erf);
	v34 =	vmul.f32 v38, v34;
	v37 =	vadd.f32 $3.333333430e-01, v41;
	v38 =	vmul.f32 v43, v29;
	v41 =	vld [tilespmem:s7+$0x1400];
	s7 =	smov.u32 s8  }
0x63: {  	v30 =	vadd.f32 v30, v30;
	v43 =	vld [tilespmem:s9+$0x1000];
	(erf) = vpow2.f32 v36;
	v35 =	vmul.f32 v35, v27  }
0x64: {  	s16 =	sand.u32 $0x40, s14;
	s6 =	sadd.s32 $0x100, s6;
	s13 =	sor.u32 s13, s12;
	v36 =	vpop (erf);
	v34 =	vadd.f32 $1.000000000e+00, v34;
	v45 =	vld.idx.msk [tilespmem:v45+s3+$0x0], $0xffff;
	v32 =	vmul.f32 v37, v32;
	v37 =	vadd.f32 $3.333333430e-01, v38  }
0x65: {  	v28 =	vadd.f32 v28, v28;
	s17 =	sand.u32 $0xE00, s6;
	s8 =	sor.u32 $0x30, s16;
	v38 =	vld [tilespmem:s13+$0x1000];
	(erf) = vpow2.f32 v40;
	v48 =	vadd.f32 $3.333333430e-01, v35  }
0x66: {  	s15 =	sor.u32 s8, s17;
	v40 =	vpop (erf);
	v30 =	vmul.f32 v34, v30;
	v32 =	vadd.f32 $1.000000000e+00, v32;
	v34 =	vld.idx.msk [tilespmem:v44+s3+$0x0], $0xffff;
	v29 =	vmul.f32 v37, v29  }
0x67: {  	v24 =	vadd.f32 v24, v24;
	v37 =	vld [tilespmem:s15+$0x80];
	(erf) = vpow2.f32 v39;
	v27 =	vmul.f32 v48, v27  }
0x68: {  	v35 =	vpop (erf);
	v20 =	vadd.f32 v30, v20;
	v28 =	vmul.f32 v32, v28;
	v29 =	vadd.f32 $1.000000000e+00, v29;
	v30 =	vld.idx.msk [tilespmem:v42+s3+$0x0], $0xffff  }
0x69: {  	v22 =	vadd.f32 v22, v22;
	s11 =	sor.u32 $0x20, s16;
	v32 =	vld [tilespmem:s15+$0x100];
	(erf) = vpow2.f32 v33;
	v27 =	vadd.f32 $1.000000000e+00, v27  }
0x6a: {  	s18 =	sor.u32 s11, s17;
	v33 =	vpop (erf);
	v20 =	vmul.f32 v20, v45;
	v28 =	vadd.f32 v28, v31;
	v24 =	vmul.f32 v29, v24;
	v29 =	vld.idx.msk [tilespmem:v41+s3+$0x0], $0xffff  }
0x6b: {  	v19 =	vsub.f32 v1, v19;
	v1 =	vmovc v16;
	s12 =	sor.u32 $0x10, s16;
	v31 =	vld [tilespmem:s18+$0x80];
	(erf) = vpow2.f32 v25;
	v22 =	vmul.f32 v27, v22  }
0x6c: {  	s19 =	sor.u32 s12, s17;
	v25 =	vld [tilespmem:s18+$0x100];
	v16 =	vpop (erf);
	v0 =	vadd.f32 v20, v0;
	v20 =	vmul.f32 v28, v34;
	v23 =	vadd.f32 v24, v23  }
0x6d: {  	vm3 =	veq.s32 v46, $0x0;
	v28 =	vmul.f32 $1.442695020e+00, v26;
	v24 =	vld [tilespmem:s19+$0x80];
	(erf) = vpow2.f32 v21  }
0x6e: {  	s16 =	sor.u32 s16, s17;
	v19 =	vadd.f32 v22, v19;
	v21 =	vld [tilespmem:s19+$0x100];
	v27 =	vpop (erf);
	v0 =	vadd.f32 v20, v0;
	v20 =	vmul.f32 v23, v30  }
0x6f: {  	vm4 =	veq.s32 v46, $0x1;
	vm2 =	veq.s32 v47, $0x0;
	v22 =	vld [tilespmem:s16+$0x80];
	(erf) = vpow2.f32 v28  }
0x70: {  	vm5 =	veq.s32 v47, $0x1;
	v19 =	vmul.f32 v19, v29;
	v23 =	vld [tilespmem:s16+$0x100];
	v26 =	vpop (erf);
	v0 =	vadd.f32 v20, v0  }
0x71: {  	vm1 =	veq.s32 v43, $0x0;
	vm6 =	veq.s32 v43, $0x1;
	vm0 =	veq.s32 v38, $0x0  }
0x72: {  	v15 =	vsel vm4, v15, v17;
	v20 =	vadd.f32 v26, v27;
	v17 =	vpop (erf);
	v0 =	vadd.f32 v19, v0  }
0x73: {  	vm4 =	veq.s32 v38, $0x1;
	v27 =	vmax.f32 v37, v32;
	v19 =	vmax.f32 v31, v25;
	v26 =	vld [tilespmem:s15+$0x0]  }
0x74: {  	v28 =	vmax.f32 v24, v21;
	v30 =	vadd.f32 v20, v33;
	v16 =	vadd.f32 v17, v16;
	v29 =	vld [tilespmem:s18+$0x0];
	v17 =	vpop (erf)  }
0x75: {  	v34 =	vsel vm5, v3, v4;
	v3 =	vmovc v37;
	v20 =	vmax.f32 v22, v23;
	v33 =	vld [tilespmem:s19+$0x0];
	v17 =	vadd.f32 v17, v35  }
0x76: {  	v38 =	vsel vm6, v7, v10;
	v37 =	vadd.f32 $1.000000000e+00, v30;
	v39 =	vadd.f32 v16, v40;
	v35 =	vld [tilespmem:s16+$0x0];
	v4 =	vpop (erf)  }
0x77: {  	v14 =	vsel vm3, v14, v15;
	v40 =	vadd.f32 v17, v18;
	v15 =	vadd.f32 v4, v36;
	v4 =	vmovc v32  }
0x78: {  	v36 =	vadd.f32 $1.000000000e+00, v39;
	v32 =	vsel vm4, v5, v8;
	(erf) = vrcp.f32 v37;
	v5 =	vpop (erf)  }
0x79: {  	v7 =	vmovc v31;
	v10 =	vmovc v25;
	v16 =	vmax.f32 v26, v27;
	v37 =	vadd.f32 $1.000000000e+00, v40;
	v27 =	vadd.f32 v15, v5  }
0x7a: {  	v8 =	vmovc v21;
	v45 =	vmax.f32 v29, v19;
	v5 =	vmovc v24;
	v18 =	vmax.f32 v33, v28;
	(erf) = vrcp.f32 v36  }
0x7b: {  	v17 =	vmovc v23;
	v21 =	vmax.f32 v35, v20;
	v24 =	vadd.f32 $1.000000000e+00, v27;
	(erf) = vrcp.f32 v37;
	v15 =	vmovc v22  }
0x7c: {  	v19 =	vsel vm2, v2, v34;
	v2 =	vmovc v26;
	v22 =	vsub.f32 v10, v45;
	v20 =	vsub.f32 v13, v14  }
0x7d: {  	v25 =	vsub.f32 v3, v16;
	v23 =	vsub.f32 v2, v16;
	v14 =	vmovc v35;
	v13 =	vmovc v21;
	(erf) = vrcp.f32 v24  }
0x7e: {  	v44 =	vsel vm1, v9, v38;
	v9 =	vmovc v29;
	v21 =	vsub.f32 v8, v18;
	v24 =	vsub.f32 v29, v45  }
0x7f: {  	v31 =	vsel vm0, v6, v32;
	v28 =	vsub.f32 v7, v45;
	v6 =	vmovc v33;
	v26 =	vsub.f32 v17, v13  }
0x80: {  	v23 =	vmul.f32 $1.442695020e+00, v23;
	v41 =	vmul.f32 $1.442695020e+00, v22;
	v22 =	vadd.f32 $-1.000000000e+00, v30  }
0x81: {  	v29 =	vsub.f32 v6, v18;
	v38 =	vmul.f32 $1.442695020e+00, v21;
	v21 =	vmul.f32 $1.442695020e+00, v25;
	v25 =	vpop (erf)  }
0x82: {  	v32 =	vadd.f32 $-1.000000000e+00, v39;
	v37 =	vmul.f32 $1.442695020e+00, v24;
	v30 =	vmul.f32 v25, v22  }
0x83: {  	v35 =	vmul.f32 $1.442695020e+00, v26;
	v24 =	vadd.f32 $-1.000000000e+00, v40;
	v25 =	vmul.f32 $1.442695020e+00, v28;
	v26 =	vpop (erf)  }
0x84: {  	v33 =	vsub.f32 v5, v18;
	v34 =	vmul.f32 v30, v30;
	v28 =	vmul.f32 v26, v32;
	v22 =	vpop (erf)  }
0x85: {  	v36 =	vmul.f32 $1.442695020e+00, v29;
	v24 =	vmul.f32 v22, v24;
	v22 =	vadd.f32 $-1.000000000e+00, v27  }
0x86: {  	v26 =	vsub.f32 v4, v16;
	v27 =	vmul.f32 $1.111111120e-01, v34;
	v32 =	vmul.f32 v28, v28;
	v29 =	vpop (erf)  }
.Ltmp0:
0x87: {  	v33 =	vmul.f32 $1.442695020e+00, v33;
	v40 =	vsub.f32 v14, v13;
	v22 =	vmul.f32 v29, v22;
	(pc) =	sbr.rel @p0 .LBB2_1-.Ltmp0, $4  }
0x88: {  	v29 =	vmul.f32 v24, v24;
	v42 =	vadd.f32 $1.428571490e-01, v27;
	v43 =	vmul.f32 $1.111111120e-01, v32  }
0x89: {  	v39 =	vsub.f32 v15, v13;
	(erf) = vpow2.f32 v41;
	v27 =	vmul.f32 v22, v22  }
0x8a: {  	v41 =	vmul.f32 v42, v34;
	v42 =	vadd.f32 $1.428571490e-01, v43;
	v43 =	vmul.f32 $1.111111120e-01, v29  }
0x8b: {  	s14 =	sadd.s32 $0x40, s14;
	(erf) = vpow2.f32 v23;
	v23 =	vsub.f32 v11, v44;
	v44 =	vmul.f32 $1.111111120e-01, v27;
	v11 =	vmovc v45  }
0x8c: {  	(erf) = vpow2.f32 v38  }
0x8d: {  	(erf) = vpow2.f32 v37  }
0x8e: {  	v60 =	vmul.f32 $1.442695020e+00, v40;
	(erf) = vpow2.f32 v35  }
0x8f: {  	v61 =	vmul.f32 $1.442695020e+00, v39;
	(erf) = vpow2.f32 v36  }
0x90: {  	(erf) = vpow2.f32 v60  }
0x91: {  	(erf) = vpow2.f32 v61;
	_ =	sdelay $0x1  }
0x92: {  	v62 =	vadd.f32 $2.000000030e-01, v41;
	v39 =	vpop (erf);
	(erf) = vpow2.f32 v33  }
0x93: {  	v63 =	vmul.f32 v42, v32;
	v42 =	vadd.f32 $1.428571490e-01, v43;
	v35 =	vpop (erf);
	(erf) = vpow2.f32 v25  }
0x94: {  	v26 =	vmul.f32 $1.442695020e+00, v26;
	v12 =	vsub.f32 v12, v31;
	v30 =	vadd.f32 v30, v30;
	v45 =	vpop (erf)  }
0x95: {  	v43 =	vadd.f32 $1.428571490e-01, v44;
	v37 =	vmul.f32 v42, v29;
	(erf) = vpow2.f32 v21;
	v46 =	vpop (erf)  }
0x96: {  	v28 =	vadd.f32 v28, v28;
	v36 =	vadd.f32 $2.000000030e-01, v63;
	v47 =	vpop (erf)  }
0x97: {  	v38 =	vmul.f32 v43, v27;
	v37 =	vadd.f32 $2.000000030e-01, v37;
	(erf) = vpow2.f32 v26;
	v49 =	vpop (erf)  }
0x98: {  	v24 =	vadd.f32 v24, v24;
	v22 =	vadd.f32 v22, v22;
	v44 =	vmul.f32 v62, v34;
	v50 =	vpop (erf)  }
0x99: {  	v36 =	vmul.f32 v36, v32;
	v38 =	vadd.f32 $2.000000030e-01, v38;
	v52 =	vmul.f32 v37, v29;
	v54 =	vpop (erf)  }
0x9a: {  	v48 =	vld [tilespmem:s10+$0x1400];
	v33 =	vadd.f32 $3.333333430e-01, v44;
	v26 =	vadd.f32 v54, v50  }
0x9b: {  	v51 =	vadd.f32 $3.333333430e-01, v36;
	v53 =	vmul.f32 v38, v27;
	v36 =	vadd.f32 $3.333333430e-01, v52;
	v57 =	vpop (erf)  }
0x9c: {  	v55 =	vld [tilespmem:s13+$0x1400];
	v59 =	vadd.f32 v57, v49;
	v21 =	vadd.f32 v26, v47;
	v60 =	vpop (erf)  }
0x9d: {  	v58 =	vld [tilespmem:s9+$0x1400];
	v33 =	vmul.f32 v33, v34;
	v56 =	vadd.f32 $3.333333430e-01, v53;
	v34 =	vadd.f32 v60, v46  }
0x9e: {  	v25 =	vadd.f32 v59, v45;
	v62 =	vpop (erf);
	v61 =	vadd.f32 $1.000000000e+00, v21  }
0x9f: {  	v31 =	vmul.f32 v51, v32;
	v26 =	vadd.f32 v62, v35;
	v44 =	vadd.f32 v34, v39  }
0xa0: {  	s6 =	sshra.s32 s6, $0x2;
	v33 =	vadd.f32 $1.000000000e+00, v33;
	v47 =	vpop (erf);
	v46 =	vadd.f32 $1.000000000e+00, v25;
	(erf) = vrcp.f32 v61  }
0xa1: {  	v51 =	vld [tilespmem:s6+$0x1000];
	v26 =	vadd.f32 v26, v47;
	v49 =	vadd.f32 $1.000000000e+00, v44  }
0xa2: {  	v63 =	vld.idx.msk [tilespmem:v48+s3+$0x0], $0xffff;
	v48 =	vmul.f32 v36, v29;
	v31 =	vadd.f32 $1.000000000e+00, v31;
	(erf) = vrcp.f32 v46  }
0xa3: {  	v53 =	vmul.f32 v56, v27;
	v52 =	vadd.f32 $1.000000000e+00, v26;
	(erf) = vrcp.f32 v49  }
0xa4: {  	v1 =	vsub.f32 v1, v19;
	v30 =	vmul.f32 v33, v30;
	v29 =	vadd.f32 $1.000000000e+00, v48;
	v50 =	vld.idx.msk [tilespmem:v55+s3+$0x0], $0xffff  }
0xa5: {  	v28 =	vmul.f32 v31, v28;
	v27 =	vadd.f32 $1.000000000e+00, v53;
	v54 =	vld.idx.msk [tilespmem:v58+s3+$0x0], $0xffff;
	(erf) = vrcp.f32 v52  }
0xa6: {  	s24 =	sand.u32 $0x380, s5;
	v20 =	vadd.f32 v30, v20;
	v24 =	vmul.f32 v29, v24;
	vm1 =	veq.s32 v51, $0x0;
	v45 =	vld [tilespmem:s7+$0x1400]  }
0xa7: {  	s5 =	sor.u32 s24, s8;
	vm3 =	veq.s32 v51, $0x1;
	v12 =	vadd.f32 v28, v12;
	v22 =	vmul.f32 v27, v22  }
0xa8: {  	v55 =	vld [tilespmem:s5+$0x1000];
	v15 =	vsel vm3, v15, v17;
	v20 =	vmul.f32 v20, v63;
	v58 =	vadd.f32 $-1.000000000e+00, v21  }
0xa9: {  	v56 =	vadd.f32 v24, v23;
	v14 =	vsel vm1, v14, v15;
	v1 =	vadd.f32 v22, v1;
	v61 =	vpop (erf)  }
0xaa: {  	v13 =	vsub.f32 v13, v14;
	v63 =	vadd.f32 $-1.000000000e+00, v25;
	v19 =	vmul.f32 v61, v58  }
0xab: {  	s25 =	sor.u32 s24, s11;
	v12 =	vmul.f32 v12, v50;
	v60 =	vmul.f32 v56, v54;
	v30 =	vadd.f32 $-1.000000000e+00, v44;
	v31 =	vpop (erf)  }
0xac: {  	s26 =	sor.u32 s24, s12;
	v0 =	vadd.f32 v20, v0;
	v59 =	vld [tilespmem:s25+$0x1000];
	v20 =	vmul.f32 v31, v63;
	v32 =	vmul.f32 v19, v19;
	v33 =	vpop (erf)  }
0xad: {  	v62 =	vld [tilespmem:s26+$0x1000];
	vm0 =	veq.s32 v55, $0x0;
	v34 =	vadd.f32 $-1.000000000e+00, v26;
	v22 =	vmul.f32 v33, v30  }
0xae: {  	vm4 =	veq.s32 v55, $0x1;
	v57 =	vld.idx.msk [tilespmem:v45+s3+$0x0], $0xffff;
	v36 =	vmul.f32 v20, v20;
	v37 =	vpop (erf);
	v35 =	vmul.f32 $1.111111120e-01, v32  }
0xaf: {  	v3 =	vsel vm4, v3, v4;
	v0 =	vadd.f32 v12, v0;
	v23 =	vmul.f32 v37, v34  }
0xb0: {  	v38 =	vmul.f32 $1.111111120e-01, v36;
	v39 =	vmul.f32 v22, v22;
	v12 =	vadd.f32 $1.428571490e-01, v35  }
0xb1: {  	vm6 =	veq.s32 v59, $0x1;
	v0 =	vadd.f32 v60, v0;
	v40 =	vmul.f32 v23, v23  }
0xb2: {  	v41 =	vadd.f32 $1.428571490e-01, v38;
	v42 =	vmul.f32 $1.111111120e-01, v39;
	v12 =	vmul.f32 v12, v32  }
0xb3: {  	vm2 =	veq.s32 v62, $0x0;
	v1 =	vmul.f32 v1, v57;
	v43 =	vmul.f32 $1.111111120e-01, v40  }
0xb4: {  	v21 =	vmul.f32 v41, v36;
	v44 =	vadd.f32 $1.428571490e-01, v42;
	v12 =	vadd.f32 $2.000000030e-01, v12  }
0xb5: {  	v46 =	vld [tilespmem:s6+$0x1400];
	vm15 =	veq.s32 v62, $0x1;
	v0 =	vadd.f32 v1, v0;
	v1 =	vadd.f32 $1.428571490e-01, v43  }
0xb6: {  	v48 =	vadd.f32 $2.000000030e-01, v21;
	v49 =	vmul.f32 v44, v39;
	v47 =	vmul.f32 v12, v32  }
0xb7: {  	v50 =	vld [tilespmem:s26+$0x1400];
	v5 =	vsel vm15, v5, v8;
	v45 =	vsel vm6, v7, v10;
	v1 =	vmul.f32 v1, v40  }
0xb8: {  	v12 =	vmul.f32 v48, v36;
	v51 =	vadd.f32 $2.000000030e-01, v49;
	v10 =	vadd.f32 $3.333333430e-01, v47  }
0xb9: {  	vm5 =	veq.s32 v59, $0x0;
	v52 =	vld [tilespmem:s25+$0x1400];
	v5 =	vsel vm2, v6, v5;
	v1 =	vadd.f32 $2.000000030e-01, v1  }
0xba: {  	v12 =	vadd.f32 $3.333333430e-01, v12;
	v53 =	vmul.f32 v51, v39;
	v10 =	vmul.f32 v10, v32  }
0xbb: {  	v54 =	vld [tilespmem:s5+$0x1400];
	v5 =	vsub.f32 v18, v5;
	v55 =	vadd.f32 v19, v19;
	v1 =	vmul.f32 v1, v40  }
0xbc: {  	v12 =	vmul.f32 v12, v36;
	v14 =	vadd.f32 $3.333333430e-01, v53;
	v10 =	vadd.f32 $1.000000000e+00, v10  }
0xbd: {  	v4 =	vsel vm5, v9, v45;
	v56 =	vld.idx.msk [tilespmem:v46+s3+$0x0], $0xffff;
	v57 =	vadd.f32 v20, v20;
	v1 =	vadd.f32 $3.333333430e-01, v1  }
0xbe: {  	v12 =	vadd.f32 $1.000000000e+00, v12;
	v14 =	vmul.f32 v14, v39;
	v10 =	vmul.f32 v10, v55  }
0xbf: {  	v4 =	vsub.f32 v11, v4;
	v8 =	vld.idx.msk [tilespmem:v50+s3+$0x0], $0xffff;
	v58 =	vadd.f32 v22, v22;
	v1 =	vmul.f32 v1, v40  }
0xc0: {  	v7 =	vmul.f32 v12, v57;
	v59 =	vadd.f32 $1.000000000e+00, v14;
	v10 =	vadd.f32 v10, v13  }
0xc1: {  	v2 =	vsel vm0, v2, v3;
	v60 =	vld.idx.msk [tilespmem:v52+s3+$0x0], $0xffff;
	v61 =	vadd.f32 v23, v23;
	v1 =	vadd.f32 $1.000000000e+00, v1  }
0xc2: {  	v5 =	vadd.f32 v7, v5;
	v62 =	vmul.f32 v59, v58;
	v6 =	vmul.f32 v10, v56  }
0xc3: {  	v2 =	vsub.f32 v16, v2;
	v63 =	vld.idx.msk [tilespmem:v54+s3+$0x0], $0xffff;
	v1 =	vmul.f32 v1, v61  }
0xc4: {  	v5 =	vmul.f32 v5, v8;
	v4 =	vadd.f32 v62, v4;
	v0 =	vadd.f32 v6, v0;
	_ =	sdelay $0x1  }
0xc5: {  	v1 =	vadd.f32 v1, v2;
	v3 =	vmul.f32 v4, v60;
	v0 =	vadd.f32 v5, v0;
	_ =	sdelay $0x1  }
0xc6: {  	v1 =	vmul.f32 v1, v63;
	v0 =	vadd.f32 v3, v0;
	_ =	sdelay $0x1  }
0xc7: {  	v0 =	vadd.f32 v1, v0  }
0xc8: {  	s28 =	sshll.u32 s2, $0x4;
	s29 =	simm.s32 $0x0  }
0xc9: {  	s30 =	simm.s32 $0x1880;
	s31 =	simm.s32 $0x5;
	s3 =	sadd.s32 s4, s28;
	[tilespmem:$0x1880] =	vst v0  }
0xca: {  	[hbm4b:s3+s29] =	stream.linear.scatter [tilespmem:s30], [sflag:$0x5], $0x80, $0x38;
	[tilespmem:$0x2100] =	vst v63  }
0xcb: {  	_ =	swait.ge [sflag:s31], $0x80  }
0xcc: {  	[sflag:s31] =	ssyncset.done $0x0  }
0xcd: {  	[sflag:s31] =	ssyncadd.s32 $0xFFFFFF80  }
0xce: {  	p0 =	sne.s32 s2, $0x0;
	[bflag:$0x0] =	sbarrier.arrive $0xFFFF  }
0xcf: {  	_ =	sfence.sel @p0 $0x180000  }
0xd0: {  	[bflag:$0x0] =	sbarrier.arrive @p0 $0xFFFF  }
0xd1: {  	_ =	strace @p0 $0x90000047  }
0xd2: {  	s2 =	simm.s32 @!p0 $0x0;
	s3 =	simm.s32 @!p0 $0x1900;
	[bflag:$0x2] =	sbarrier.arrive @p0 $0xFFFF  }
0xd3: {  	[tilespmem:s3], [sflag:$0x5] =	stream.linear.gather @!p0 [hbm4b:s4+s2], $0x800, $0x38;
	[tilespmem:$0x2100] =	vst v63  }
0xd4: {  	s3 =	simm.s32 @!p0 $0x5  }
0xd5: {  	_ =	swait.ge @!p0 [sflag:s3], $0x800  }
0xd6: {  	[sflag:s3] =	ssyncset.done @!p0 $0x0  }
0xd7: {  	[sflag:s3] =	ssyncadd.s32 @!p0 $0xFFFFF800  }
0xd8: {  	v0 =	vld @!p0 [tilespmem:$0x1900];
	_ =	sdelay $0x1  }
0xd9: {  	v1 =	vld @!p0 [tilespmem:$0x1980];
	_ =	sdelay $0x1  }
0xda: {  	v2 =	vld @!p0 [tilespmem:$0x1A00]  }
0xdb: {  	v0 =	vadd.f32 @!p0 $0.0e+00, v0  }
0xdc: {  	v3 =	vld @!p0 [tilespmem:$0x1A80]  }
0xdd: {  	v0 =	vadd.f32 @!p0 v1, v0  }
0xde: {  	v1 =	vld @!p0 [tilespmem:$0x1B00]  }
0xdf: {  	v0 =	vadd.f32 @!p0 v2, v0  }
0xe0: {  	v2 =	vld @!p0 [tilespmem:$0x1B80]  }
0xe1: {  	v0 =	vadd.f32 @!p0 v3, v0  }
0xe2: {  	v3 =	vld @!p0 [tilespmem:$0x1C00]  }
0xe3: {  	v0 =	vadd.f32 @!p0 v1, v0  }
0xe4: {  	v1 =	vld @!p0 [tilespmem:$0x1C80]  }
0xe5: {  	v0 =	vadd.f32 @!p0 v2, v0  }
0xe6: {  	v2 =	vld @!p0 [tilespmem:$0x1D00]  }
0xe7: {  	v0 =	vadd.f32 @!p0 v3, v0  }
0xe8: {  	v3 =	vld @!p0 [tilespmem:$0x1D80]  }
0xe9: {  	v0 =	vadd.f32 @!p0 v1, v0  }
0xea: {  	v1 =	vld @!p0 [tilespmem:$0x1E00]  }
0xeb: {  	v0 =	vadd.f32 @!p0 v2, v0  }
0xec: {  	v2 =	vld @!p0 [tilespmem:$0x1E80]  }
0xed: {  	v0 =	vadd.f32 @!p0 v3, v0  }
0xee: {  	v3 =	vld @!p0 [tilespmem:$0x1F00]  }
0xef: {  	v0 =	vadd.f32 @!p0 v1, v0  }
0xf0: {  	v1 =	vld @!p0 [tilespmem:$0x1F80]  }
0xf1: {  	v0 =	vadd.f32 @!p0 v2, v0  }
0xf2: {  	v2 =	vld @!p0 [tilespmem:$0x2000]  }
0xf3: {  	v0 =	vadd.f32 @!p0 v3, v0  }
0xf4: {  	v3 =	vld @!p0 [tilespmem:$0x2080]  }
0xf5: {  	v0 =	vadd.f32 @!p0 v1, v0;
	_ =	sdelay $0x1  }
0xf6: {  	v0 =	vadd.f32 @!p0 v2, v0;
	_ =	sdelay $0x1  }
0xf7: {  	v0 =	vadd.f32 @!p0 v3, v0;
	_ =	sdelay $0x1  }
0xf8: {  	(xrf2) =	vadd.scan.msk.f32 @!p0 $0xffff, v0;
	_ =	sdelay $0x9  }
0xf9: {  	v0, _, _ =	vpop @!p0 (xrf2)  }
0xfa: {  	v0 =	vbroadcast @!p0 v0, $0xF;
	_ =	sdelay $0x1  }
0xfb: {  	s4 =	simm.s32 @!p0 $0x1880;
	[tilespmem:$0x1880] =	vst @!p0 v0  }
0xfc: {  	[hbm4b:s1+s2] =	stream.linear.scatter @!p0 [tilespmem:s4], [sflag:$0x5], $0x1, $0x38;
	[tilespmem:$0x2100] =	vst v63  }
0xfd: {  	_ =	swait.ge @!p0 [sflag:s3], $0x1  }
0xfe: {  	[sflag:s3] =	ssyncset.done @!p0 $0x0  }
0xff: {  	[sflag:s3] =	ssyncadd.s32 @!p0 $0xFFFFFFFF  }
0x100: {  	_ =	sfence.sel @!p0 $0x180000  }
0x101: {  	[bflag:$0x0] =	sbarrier.arrive @!p0 $0xFFFF  }
0x102: {  	_ =	strace @!p0 $0x90000047  }
0x103: {  	s0 =	sadd.s32 @!p0 $0x100000, s0;
	[bflag:$0x2] =	sbarrier.arrive @!p0 $0xFFFF  }
0x104: {  	[sflag:s0] =	ssyncadd.tile.s32 @!p0 $0x1;
	_ =	shalt  }
.Lfunc_end2:
_tile_overlayer_lowered:
.L_overlay_start_2:
0x105: {  	(tag) =	ssettag $0x2  }
0x106: {  	s0 =	rddreg [dreg:$0x0];
	s2 =	stileid.u32  }
0x107: {  	s1 =	rddreg [dreg:$0x1];
	p0 =	sne.s32 s2, $0x0  }
0x108: {  	s3 =	rddreg [dreg:$0x2];
	[bflag:$0x3] =	sbarrier.arrive $0xFFFF;
	s2 =	simm.s32 @!p0 $0x1C05  }
0x109: {  	[timem:s3], [sflag:s2] =	dma.local @!p0 [hbm:s0], s1  }
0x10a: {  	s0 =	simm.s32 @!p0 $0x5  }
0x10b: {  	_ =	swait.ge @!p0 [sflag:s0], s1  }
0x10c: {  	s1 =	ssub.s32 @!p0 $0x0, s1;
	[sflag:s0] =	ssyncset.done @!p0 $0x0  }
0x10d: {  	[sflag:s0] =	ssyncadd.s32 @!p0 s1  }
0x10e: {  	[bflag:$0x3] =	sbarrier.arrive $0xFFFF  }
0x10f: {  	_ =	shalt  }

</sc_bundles>
